<compile_context>
chip_gen: v7x
topology: tpu7x:2x2x1
jax: 0.10.2.dev20260603
libtpu: 0.0.44.dev20260713+nightly
codegen_flags: <defaults>
</compile_context>

<pallas_src>
import functools

import jax
import jax.numpy as jnp
from jax import lax
from jax.experimental import pallas as pl
from jax.experimental.pallas import tpu as pltpu
from jax.experimental.pallas import tpu_sc as plsc

D = 768
LANES = 16
NC = 2
NS = 16
NW = NC * NS
CH = 32
NBUF = 3


def _embed_sc(x_flat, W, pos_embd, batch, seq_len):
    P = seq_len // NW
    rows_per_w = batch * P
    n_chunks = rows_per_w // CH
    per_batch = P // CH
    B = x_flat.shape[0]
    mesh = plsc.VectorSubcoreMesh(core_axis_name="c", subcore_axis_name="s")

    @functools.partial(
        pl.kernel,
        out_type=jax.ShapeDtypeStruct((B, D), jnp.float32),
        mesh=mesh,
        scratch_types=(
            [pltpu.VMEM((rows_per_w,), jnp.int32),
             pltpu.VMEM((P, D), jnp.float32)]
            + [pltpu.VMEM((CH, D), jnp.float32)] * NBUF
            + [pltpu.SemaphoreType.DMA] * (2 * NBUF + 1 + batch)
        ),
    )
    def k(x_hbm, w_hbm, pos_hbm, out_hbm, idx_v, pos_v, *rest):
        bufs = rest[:NBUF]
        gsems = rest[NBUF:2 * NBUF]
        ssems = rest[2 * NBUF:3 * NBUF]
        psem = rest[3 * NBUF]
        isems = rest[3 * NBUF + 1:]

        wid = lax.axis_index("s") * NC + lax.axis_index("c")
        p0 = wid * P
        idx_cps = [
            pltpu.async_copy(x_hbm.at[pl.ds(b * seq_len + p0, P)],
                             idx_v.at[pl.ds(b * P, P)], isems[b])
            for b in range(batch)
        ]
        idx_done = set()

        def need_idx(c):
            b = c // per_batch
            if b not in idx_done:
                idx_cps[b].wait()
                idx_done.add(b)

        gathers = {}
        scatters = {}

        def do_add(buf, po):
            @plsc.parallel_loop(0, CH * (D // LANES), unroll=8)
            def add_vec(i):
                r = i // (D // LANES)
                o = (i % (D // LANES)) * LANES
                sl = pl.ds(o, LANES)
                plsc.addupdate(buf.at[r, sl], pos_v[po + r, sl])

        def issue_gather(c):
            gathers[c] = pltpu.async_copy(
                w_hbm.at[idx_v.at[pl.ds(c * CH, CH)]],
                bufs[c % NBUF], gsems[c % NBUF])

        def issue_scatter(c):
            b, kk = divmod(c, per_batch)
            row0 = b * seq_len + p0 + kk * CH
            scatters[c] = pltpu.async_copy(
                bufs[c % NBUF], out_hbm.at[pl.ds(row0, CH)], ssems[c % NBUF])

        need_idx(0)
        issue_gather(0)
        pos_cp = pltpu.async_copy(pos_hbm.at[pl.ds(p0, P)], pos_v, psem)
        for c in range(n_chunks):
            if c + 1 < n_chunks:
                need_idx(c + 1)
                if c - (NBUF - 1) >= 0:
                    scatters[c - (NBUF - 1)].wait()
                issue_gather(c + 1)
            gathers[c].wait()
            if c == 0:
                pos_cp.wait()
            do_add(bufs[c % NBUF], (c % per_batch) * CH)
            issue_scatter(c)
        for c in range(max(0, n_chunks - NBUF + 1), n_chunks):
            scatters[c].wait()

    return k(x_flat, W, pos_embd)


def kernel(x, W, pos_embd):
    batch, seq_len = x.shape
    x_flat = x.reshape(-1).astype(jnp.int32)
    out = _embed_sc(x_flat, W, pos_embd[:seq_len], batch, seq_len)
    return out.reshape(batch, seq_len, D)

# --- scband reference (transcript-rebuilt; emitter-appended) ---
"""Pipeline reference for scband-embedding-17377437680431 (READ-ONLY COPY).

The authoritative reference and input builder live on the scoring server;
editing this copy changes nothing except your own understanding.
"""

import jax, jax.numpy as jnp
import numpy as np

VOCAB = 100000
D_MODEL = 768
SEQ_LEN = 2048
BATCH = 4

def _make_pos_embd(seq_len, d_model):
    T = np.arange(0, seq_len, dtype=np.float32)
    i = np.arange(0, d_model // 2, dtype=np.float32)
    div = np.exp(2.0 * i / d_model * -np.log(10000.0)).astype(np.float32)
    pos = np.zeros((seq_len, d_model), dtype=np.float32)
    pos[:, ::2] = np.sin(np.outer(T, div))
    pos[:, 1::2] = np.cos(np.outer(T, div))
    return jnp.asarray(pos)

def setup_inputs(seed: int = 0) -> dict:
    key = jax.random.key(seed)
    k1, k2 = jax.random.split(key)
    x = jax.random.randint(k1, (BATCH, SEQ_LEN), 0, VOCAB, dtype=jnp.int64 if jax.config.jax_enable_x64 else jnp.int32)
    W = jax.random.normal(k2, (VOCAB, D_MODEL), dtype=jnp.float32)
    pos_embd = _make_pos_embd(SEQ_LEN, D_MODEL)
    return {"x": x, "W": W, "pos_embd": pos_embd}

def reference(x, W, pos_embd):
    seq_len = x.shape[1]
    embd = jnp.take(W, x, axis=0)
    return embd + pos_embd[:seq_len, :]

if __name__ == "__main__":
    import jax
    _d = setup_inputs()
    print(jax.jit(kernel)(*tuple(_d.values())))

</pallas_src>

<mosaic_0001>
#map = affine_map<(d0, d1) -> (0)>
#map1 = affine_map<(d0, d1) -> (0, 0)>
module attributes {stable_mosaic.version = 14 : i64} {
  func.func @k(%arg0: i32, %arg1: i32, %arg2: memref<8192xi32, #tpu.memory_space<hbm>>, %arg3: memref<100000x768xf32, #tpu.memory_space<hbm>>, %arg4: memref<2048x768xf32, #tpu.memory_space<hbm>>, %arg5: memref<8192x768xf32, #tpu.memory_space<hbm>>, %arg6: memref<256xi32, #tpu.memory_space<vmem>>, %arg7: memref<64x768xf32, #tpu.memory_space<vmem>>, %arg8: memref<32x768xf32, #tpu.memory_space<vmem>>, %arg9: memref<32x768xf32, #tpu.memory_space<vmem>>, %arg10: memref<32x768xf32, #tpu.memory_space<vmem>>, %arg11: memref<!tpu.dma_semaphore, #tpu.memory_space<semaphore_mem>>, %arg12: memref<!tpu.dma_semaphore, #tpu.memory_space<semaphore_mem>>, %arg13: memref<!tpu.dma_semaphore, #tpu.memory_space<semaphore_mem>>, %arg14: memref<!tpu.dma_semaphore, #tpu.memory_space<semaphore_mem>>, %arg15: memref<!tpu.dma_semaphore, #tpu.memory_space<semaphore_mem>>, %arg16: memref<!tpu.dma_semaphore, #tpu.memory_space<semaphore_mem>>, %arg17: memref<!tpu.dma_semaphore, #tpu.memory_space<semaphore_mem>>, %arg18: memref<!tpu.dma_semaphore, #tpu.memory_space<semaphore_mem>>, %arg19: memref<!tpu.dma_semaphore, #tpu.memory_space<semaphore_mem>>, %arg20: memref<!tpu.dma_semaphore, #tpu.memory_space<semaphore_mem>>, %arg21: memref<!tpu.dma_semaphore, #tpu.memory_space<semaphore_mem>>) attributes {dimension_semantics = [#tpu.dimension_semantics<core_parallel>, #tpu.dimension_semantics<subcore_parallel>], iteration_bounds = array<i64: 2, 16>, scalar_prefetch = 0 : i64, scratch_operands = 16 : i64, tpu.core_type = #tpu.core_type<sc_vector_subcore>, window_params = [{transform_indices = #map}, {transform_indices = #map1}, {transform_indices = #map1}, {transform_indices = #map1}]} {
    %mul3A = arith.constant 2 : i32
    %mul3A_0 = arith.muli %arg1, %mul3A : i32
    %add3A = arith.addi %mul3A_0, %arg0 : i32
    %mul3A_1 = arith.constant 64 : i32
    %mul3A_2 = arith.muli %add3A, %mul3A_1 : i32
    %add3A_3 = arith.constant 0 : i32
    %add3A_4 = arith.addi %add3A_3, %mul3A_2 : i32
    %dma_start3A = arith.constant 0 : i32
    %dma_start3A_5 = tpu.memref_slice %arg6[%dma_start3A] : memref<256xi32, #tpu.memory_space<vmem>> -> memref<64xi32, #tpu.memory_space<vmem>>
    %dma_start3A_6 = tpu.memref_slice %arg2[%add3A_4] : memref<8192xi32, #tpu.memory_space<hbm>> -> memref<64xi32, #tpu.memory_space<hbm>>
    %dma_start3A_7 = arith.constant 0 : i32
    %dma_start3A_8 = tpu.memref_slice %arg6[%dma_start3A_7] : memref<256xi32, #tpu.memory_space<vmem>> -> memref<64xi32, #tpu.memory_space<vmem>>
    %dma_start3A_9 = tpu.memref_slice %arg2[%add3A_4] : memref<8192xi32, #tpu.memory_space<hbm>> -> memref<64xi32, #tpu.memory_space<hbm>>
    tpu.enqueue_dma source(%dma_start3A_9 : memref<64xi32, #tpu.memory_space<hbm>>) target(%dma_start3A_8 : memref<64xi32, #tpu.memory_space<vmem>>) target_semaphore(%arg18 : memref<!tpu.dma_semaphore, #tpu.memory_space<semaphore_mem>>)
    %add3A_10 = arith.constant 2048 : i32
    %add3A_11 = arith.addi %add3A_10, %mul3A_2 : i32
    %dma_start3A_12 = arith.constant 64 : i32
    %dma_start3A_13 = tpu.memref_slice %arg6[%dma_start3A_12] : memref<256xi32, #tpu.memory_space<vmem>> -> memref<64xi32, #tpu.memory_space<vmem>>
    %dma_start3A_14 = tpu.memref_slice %arg2[%add3A_11] : memref<8192xi32, #tpu.memory_space<hbm>> -> memref<64xi32, #tpu.memory_space<hbm>>
    %dma_start3A_15 = arith.constant 64 : i32
    %dma_start3A_16 = tpu.memref_slice %arg6[%dma_start3A_15] : memref<256xi32, #tpu.memory_space<vmem>> -> memref<64xi32, #tpu.memory_space<vmem>>
    %dma_start3A_17 = tpu.memref_slice %arg2[%add3A_11] : memref<8192xi32, #tpu.memory_space<hbm>> -> memref<64xi32, #tpu.memory_space<hbm>>
    tpu.enqueue_dma source(%dma_start3A_17 : memref<64xi32, #tpu.memory_space<hbm>>) target(%dma_start3A_16 : memref<64xi32, #tpu.memory_space<vmem>>) target_semaphore(%arg19 : memref<!tpu.dma_semaphore, #tpu.memory_space<semaphore_mem>>)
    %add3A_18 = arith.constant 4096 : i32
    %add3A_19 = arith.addi %add3A_18, %mul3A_2 : i32
    %dma_start3A_20 = arith.constant 128 : i32
    %dma_start3A_21 = tpu.memref_slice %arg6[%dma_start3A_20] : memref<256xi32, #tpu.memory_space<vmem>> -> memref<64xi32, #tpu.memory_space<vmem>>
    %dma_start3A_22 = tpu.memref_slice %arg2[%add3A_19] : memref<8192xi32, #tpu.memory_space<hbm>> -> memref<64xi32, #tpu.memory_space<hbm>>
    %dma_start3A_23 = arith.constant 128 : i32
    %dma_start3A_24 = tpu.memref_slice %arg6[%dma_start3A_23] : memref<256xi32, #tpu.memory_space<vmem>> -> memref<64xi32, #tpu.memory_space<vmem>>
    %dma_start3A_25 = tpu.memref_slice %arg2[%add3A_19] : memref<8192xi32, #tpu.memory_space<hbm>> -> memref<64xi32, #tpu.memory_space<hbm>>
    tpu.enqueue_dma source(%dma_start3A_25 : memref<64xi32, #tpu.memory_space<hbm>>) target(%dma_start3A_24 : memref<64xi32, #tpu.memory_space<vmem>>) target_semaphore(%arg20 : memref<!tpu.dma_semaphore, #tpu.memory_space<semaphore_mem>>)
    %add3A_26 = arith.constant 6144 : i32
    %add3A_27 = arith.addi %add3A_26, %mul3A_2 : i32
    %dma_start3A_28 = arith.constant 192 : i32
    %dma_start3A_29 = tpu.memref_slice %arg6[%dma_start3A_28] : memref<256xi32, #tpu.memory_space<vmem>> -> memref<64xi32, #tpu.memory_space<vmem>>
    %dma_start3A_30 = tpu.memref_slice %arg2[%add3A_27] : memref<8192xi32, #tpu.memory_space<hbm>> -> memref<64xi32, #tpu.memory_space<hbm>>
    %dma_start3A_31 = arith.constant 192 : i32
    %dma_start3A_32 = tpu.memref_slice %arg6[%dma_start3A_31] : memref<256xi32, #tpu.memory_space<vmem>> -> memref<64xi32, #tpu.memory_space<vmem>>
    %dma_start3A_33 = tpu.memref_slice %arg2[%add3A_27] : memref<8192xi32, #tpu.memory_space<hbm>> -> memref<64xi32, #tpu.memory_space<hbm>>
    tpu.enqueue_dma source(%dma_start3A_33 : memref<64xi32, #tpu.memory_space<hbm>>) target(%dma_start3A_32 : memref<64xi32, #tpu.memory_space<vmem>>) target_semaphore(%arg21 : memref<!tpu.dma_semaphore, #tpu.memory_space<semaphore_mem>>)
    %dma_wait3A = arith.constant 0 : i32
    %dma_wait3A_34 = tpu.memref_slice %arg6[%dma_wait3A] : memref<256xi32, #tpu.memory_space<vmem>> -> memref<64xi32, #tpu.memory_space<vmem>>
    %dma_wait3A_35 = tpu.memref_slice %arg2[%add3A_4] : memref<8192xi32, #tpu.memory_space<hbm>> -> memref<64xi32, #tpu.memory_space<hbm>>
    %dma_wait3A_36 = arith.constant 0 : i32
    %dma_wait3A_37 = tpu.memref_slice %arg6[%dma_wait3A_36] : memref<256xi32, #tpu.memory_space<vmem>> -> memref<64xi32, #tpu.memory_space<vmem>>
    %dma_wait3A_38 = tpu.memref_slice %arg2[%add3A_4] : memref<8192xi32, #tpu.memory_space<hbm>> -> memref<64xi32, #tpu.memory_space<hbm>>
    tpu.wait_dma2 semaphore(%arg18 : memref<!tpu.dma_semaphore, #tpu.memory_space<semaphore_mem>>) src(%dma_wait3A_38 : memref<64xi32, #tpu.memory_space<hbm>>) dst(%dma_wait3A_37 : memref<64xi32, #tpu.memory_space<vmem>>)
    %dma_start3A_39 = arith.constant 0 : i32
    %dma_start3A_40 = tpu.memref_slice %arg6[%dma_start3A_39] : memref<256xi32, #tpu.memory_space<vmem>> -> memref<32xi32, #tpu.memory_space<vmem>>
    %dma_start3A_41 = arith.constant 0 : i32
    %dma_start3A_42 = arith.constant 0 : i32
    %dma_start3A_43 = tpu.memref_slice %arg3[%dma_start3A_41, %dma_start3A_42] : memref<100000x768xf32, #tpu.memory_space<hbm>> -> memref<100000x768xf32, #tpu.memory_space<hbm>>
    tpu.enqueue_indirect_dma source(%dma_start3A_43 : memref<100000x768xf32, #tpu.memory_space<hbm>>) target(%arg8 : memref<32x768xf32, #tpu.memory_space<vmem>>) offsets(%dma_start3A_40 : memref<32xi32, #tpu.memory_space<vmem>>) semaphore(%arg11 : memref<!tpu.dma_semaphore, #tpu.memory_space<semaphore_mem>>)
    %dma_start3A_44 = arith.constant 0 : i32
    %dma_start3A_45 = tpu.memref_slice %arg4[%mul3A_2, %dma_start3A_44] : memref<2048x768xf32, #tpu.memory_space<hbm>> -> memref<64x768xf32, #tpu.memory_space<hbm>>
    %dma_start3A_46 = arith.constant 0 : i32
    %dma_start3A_47 = tpu.memref_slice %arg4[%mul3A_2, %dma_start3A_46] : memref<2048x768xf32, #tpu.memory_space<hbm>> -> memref<64x768xf32, #tpu.memory_space<hbm>>
    tpu.enqueue_dma source(%dma_start3A_47 : memref<64x768xf32, #tpu.memory_space<hbm>>) target(%arg7 : memref<64x768xf32, #tpu.memory_space<vmem>>) target_semaphore(%arg17 : memref<!tpu.dma_semaphore, #tpu.memory_space<semaphore_mem>>)
    %dma_start3A_48 = arith.constant 32 : i32
    %dma_start3A_49 = tpu.memref_slice %arg6[%dma_start3A_48] : memref<256xi32, #tpu.memory_space<vmem>> -> memref<32xi32, #tpu.memory_space<vmem>>
    %dma_start3A_50 = arith.constant 0 : i32
    %dma_start3A_51 = arith.constant 0 : i32
    %dma_start3A_52 = tpu.memref_slice %arg3[%dma_start3A_50, %dma_start3A_51] : memref<100000x768xf32, #tpu.memory_space<hbm>> -> memref<100000x768xf32, #tpu.memory_space<hbm>>
    tpu.enqueue_indirect_dma source(%dma_start3A_52 : memref<100000x768xf32, #tpu.memory_space<hbm>>) target(%arg9 : memref<32x768xf32, #tpu.memory_space<vmem>>) offsets(%dma_start3A_49 : memref<32xi32, #tpu.memory_space<vmem>>) semaphore(%arg12 : memref<!tpu.dma_semaphore, #tpu.memory_space<semaphore_mem>>)
    %dma_wait3A_53 = arith.constant 0 : i32
    %dma_wait3A_54 = tpu.memref_slice %arg6[%dma_wait3A_53] : memref<256xi32, #tpu.memory_space<vmem>> -> memref<32xi32, #tpu.memory_space<vmem>>
    %dma_wait3A_55 = arith.constant 0 : i32
    %dma_wait3A_56 = arith.constant 0 : i32
    %dma_wait3A_57 = tpu.memref_slice %arg3[%dma_wait3A_55, %dma_wait3A_56] : memref<100000x768xf32, #tpu.memory_space<hbm>> -> memref<100000x768xf32, #tpu.memory_space<hbm>>
    tpu.wait_indirect_dma semaphore(%arg11 : memref<!tpu.dma_semaphore, #tpu.memory_space<semaphore_mem>>) src(%dma_wait3A_57 : memref<100000x768xf32, #tpu.memory_space<hbm>>) dst(%arg8 : memref<32x768xf32, #tpu.memory_space<vmem>>)
    %dma_wait3A_58 = arith.constant 0 : i32
    %dma_wait3A_59 = tpu.memref_slice %arg4[%mul3A_2, %dma_wait3A_58] : memref<2048x768xf32, #tpu.memory_space<hbm>> -> memref<64x768xf32, #tpu.memory_space<hbm>>
    %dma_wait3A_60 = arith.constant 0 : i32
    %dma_wait3A_61 = tpu.memref_slice %arg4[%mul3A_2, %dma_wait3A_60] : memref<2048x768xf32, #tpu.memory_space<hbm>> -> memref<64x768xf32, #tpu.memory_space<hbm>>
    tpu.wait_dma2 semaphore(%arg17 : memref<!tpu.dma_semaphore, #tpu.memory_space<semaphore_mem>>) src(%dma_wait3A_61 : memref<64x768xf32, #tpu.memory_space<hbm>>) dst(%arg7 : memref<64x768xf32, #tpu.memory_space<vmem>>)
    %parallel_loop3A = arith.constant 0 : i32
    %parallel_loop3A_62 = arith.constant 1536 : i32
    %parallel_loop3A_63 = arith.constant 1 : i32
    scf.for %parallel_loop3A_260 = %parallel_loop3A to %parallel_loop3A_62 step %parallel_loop3A_63  : i32 {
      %parallel_loop3A_261 = arith.constant 48 : i32
      %parallel_loop3A_262 = arith.divsi %parallel_loop3A_260, %parallel_loop3A_261 : i32
      %parallel_loop3A_263 = arith.constant 0 : i32
      %parallel_loop3A_264 = arith.cmpi sgt, %parallel_loop3A_260, %parallel_loop3A_263 : i32
      %parallel_loop3A_265 = arith.extui %parallel_loop3A_264 : i1 to i32
      %parallel_loop3A_266 = arith.constant 0 : i32
      %parallel_loop3A_267 = arith.cmpi slt, %parallel_loop3A_260, %parallel_loop3A_266 : i32
      %parallel_loop3A_268 = arith.extui %parallel_loop3A_267 : i1 to i32
      %parallel_loop3A_269 = arith.subi %parallel_loop3A_265, %parallel_loop3A_268 : i32
      %parallel_loop3A_270 = arith.constant 0 : i32
      %parallel_loop3A_271 = arith.cmpi sgt, %parallel_loop3A_261, %parallel_loop3A_270 : i32
      %parallel_loop3A_272 = arith.extui %parallel_loop3A_271 : i1 to i32
      %parallel_loop3A_273 = arith.constant 0 : i32
      %parallel_loop3A_274 = arith.cmpi slt, %parallel_loop3A_261, %parallel_loop3A_273 : i32
      %parallel_loop3A_275 = arith.extui %parallel_loop3A_274 : i1 to i32
      %parallel_loop3A_276 = arith.subi %parallel_loop3A_272, %parallel_loop3A_275 : i32
      %parallel_loop3A_277 = arith.cmpi ne, %parallel_loop3A_269, %parallel_loop3A_276 : i32
      %parallel_loop3A_278 = arith.remsi %parallel_loop3A_260, %parallel_loop3A_261 : i32
      %parallel_loop3A_279 = arith.constant 0 : i32
      %parallel_loop3A_280 = arith.cmpi ne, %parallel_loop3A_278, %parallel_loop3A_279 : i32
      %parallel_loop3A_281 = arith.andi %parallel_loop3A_277, %parallel_loop3A_280 : i1
      %parallel_loop3A_282 = arith.constant 1 : i32
      %parallel_loop3A_283 = arith.subi %parallel_loop3A_262, %parallel_loop3A_282 : i32
      %parallel_loop3A_284 = arith.select %parallel_loop3A_281, %parallel_loop3A_283, %parallel_loop3A_262 : i32
      %parallel_loop3A_285 = arith.constant 48 : i32
      %parallel_loop3A_286 = arith.constant 0 : i32
      %parallel_loop3A_287 = arith.cmpi eq, %parallel_loop3A_285, %parallel_loop3A_286 : i32
      %parallel_loop3A_288 = arith.constant 1 : i32
      %parallel_loop3A_289 = arith.select %parallel_loop3A_287, %parallel_loop3A_288, %parallel_loop3A_285 : i32
      %parallel_loop3A_290 = arith.remsi %parallel_loop3A_260, %parallel_loop3A_289 : i32
      %parallel_loop3A_291 = arith.constant 0 : i32
      %parallel_loop3A_292 = arith.cmpi ne, %parallel_loop3A_290, %parallel_loop3A_291 : i32
      %parallel_loop3A_293 = arith.constant 0 : i32
      %parallel_loop3A_294 = arith.cmpi slt, %parallel_loop3A_290, %parallel_loop3A_293 : i32
      %parallel_loop3A_295 = arith.constant 0 : i32
      %parallel_loop3A_296 = arith.cmpi slt, %parallel_loop3A_289, %parallel_loop3A_295 : i32
      %parallel_loop3A_297 = arith.xori %parallel_loop3A_294, %parallel_loop3A_296 : i1
      %parallel_loop3A_298 = arith.andi %parallel_loop3A_297, %parallel_loop3A_292 : i1
      %parallel_loop3A_299 = arith.addi %parallel_loop3A_290, %parallel_loop3A_289 : i32
      %parallel_loop3A_300 = arith.select %parallel_loop3A_298, %parallel_loop3A_299, %parallel_loop3A_290 : i32
      %parallel_loop3A_301 = arith.constant 16 : i32
      %parallel_loop3A_302 = arith.muli %parallel_loop3A_300, %parallel_loop3A_301 : i32
      %parallel_loop3A_303 = arith.constant 0 : i32
      %parallel_loop3A_304 = arith.addi %parallel_loop3A_303, %parallel_loop3A_284 : i32
      %parallel_loop3A_305 = arith.index_cast %parallel_loop3A_304 : i32 to index
      %parallel_loop3A_306 = arith.index_cast %parallel_loop3A_302 : i32 to index
      %parallel_loop3A_307 = tpu.vector_load %arg7[%parallel_loop3A_305, %parallel_loop3A_306] {strides = array<i32>} : memref<64x768xf32, #tpu.memory_space<vmem>>, vector<1x16xf32>,
      %parallel_loop3A_308 = vector.shape_cast %parallel_loop3A_307 : vector<1x16xf32> to vector<16xf32>
      %parallel_loop3A_309 = arith.index_cast %parallel_loop3A_284 : i32 to index
      %parallel_loop3A_310 = arith.index_cast %parallel_loop3A_302 : i32 to index
      %parallel_loop3A_311 = tpu.vector_load %arg8[%parallel_loop3A_309, %parallel_loop3A_310] {strides = array<i32>} : memref<32x768xf32, #tpu.memory_space<vmem>>, vector<1x16xf32>,
      %parallel_loop3A_312 = vector.shape_cast %parallel_loop3A_311 : vector<1x16xf32> to vector<16xf32>
      %parallel_loop3A_313 = vector.shape_cast %parallel_loop3A_308 : vector<16xf32> to vector<1x16xf32>
      tpu.vector_store %arg8[%parallel_loop3A_309, %parallel_loop3A_310], %parallel_loop3A_313 {add = true, strides = array<i32>} : memref<32x768xf32, #tpu.memory_space<vmem>>, vector<1x16xf32>,
    } {sc.loop_unroll_factor = 8 : i64, sc.parallel_access}
    %add3A_64 = arith.constant 0 : i32
    %add3A_65 = arith.addi %add3A_64, %mul3A_2 : i32
    %add3A_66 = arith.constant 0 : i32
    %add3A_67 = arith.addi %add3A_65, %add3A_66 : i32
    %dma_start3A_68 = arith.constant 0 : i32
    %dma_start3A_69 = tpu.memref_slice %arg5[%add3A_67, %dma_start3A_68] : memref<8192x768xf32, #tpu.memory_space<hbm>> -> memref<32x768xf32, #tpu.memory_space<hbm>>
    %dma_start3A_70 = arith.constant 0 : i32
    %dma_start3A_71 = tpu.memref_slice %arg5[%add3A_67, %dma_start3A_70] : memref<8192x768xf32, #tpu.memory_space<hbm>> -> memref<32x768xf32, #tpu.memory_space<hbm>>
    tpu.enqueue_dma source(%arg8 : memref<32x768xf32, #tpu.memory_space<vmem>>) target(%dma_start3A_71 : memref<32x768xf32, #tpu.memory_space<hbm>>) target_semaphore(%arg14 : memref<!tpu.dma_semaphore, #tpu.memory_space<semaphore_mem>>)
    %dma_wait3A_72 = arith.constant 64 : i32
    %dma_wait3A_73 = tpu.memref_slice %arg6[%dma_wait3A_72] : memref<256xi32, #tpu.memory_space<vmem>> -> memref<64xi32, #tpu.memory_space<vmem>>
    %dma_wait3A_74 = tpu.memref_slice %arg2[%add3A_11] : memref<8192xi32, #tpu.memory_space<hbm>> -> memref<64xi32, #tpu.memory_space<hbm>>
    %dma_wait3A_75 = arith.constant 64 : i32
    %dma_wait3A_76 = tpu.memref_slice %arg6[%dma_wait3A_75] : memref<256xi32, #tpu.memory_space<vmem>> -> memref<64xi32, #tpu.memory_space<vmem>>
    %dma_wait3A_77 = tpu.memref_slice %arg2[%add3A_11] : memref<8192xi32, #tpu.memory_space<hbm>> -> memref<64xi32, #tpu.memory_space<hbm>>
    tpu.wait_dma2 semaphore(%arg19 : memref<!tpu.dma_semaphore, #tpu.memory_space<semaphore_mem>>) src(%dma_wait3A_77 : memref<64xi32, #tpu.memory_space<hbm>>) dst(%dma_wait3A_76 : memref<64xi32, #tpu.memory_space<vmem>>)
    %dma_start3A_78 = arith.constant 64 : i32
    %dma_start3A_79 = tpu.memref_slice %arg6[%dma_start3A_78] : memref<256xi32, #tpu.memory_space<vmem>> -> memref<32xi32, #tpu.memory_space<vmem>>
    %dma_start3A_80 = arith.constant 0 : i32
    %dma_start3A_81 = arith.constant 0 : i32
    %dma_start3A_82 = tpu.memref_slice %arg3[%dma_start3A_80, %dma_start3A_81] : memref<100000x768xf32, #tpu.memory_space<hbm>> -> memref<100000x768xf32, #tpu.memory_space<hbm>>
    tpu.enqueue_indirect_dma source(%dma_start3A_82 : memref<100000x768xf32, #tpu.memory_space<hbm>>) target(%arg10 : memref<32x768xf32, #tpu.memory_space<vmem>>) offsets(%dma_start3A_79 : memref<32xi32, #tpu.memory_space<vmem>>) semaphore(%arg13 : memref<!tpu.dma_semaphore, #tpu.memory_space<semaphore_mem>>)
    %dma_wait3A_83 = arith.constant 32 : i32
    %dma_wait3A_84 = tpu.memref_slice %arg6[%dma_wait3A_83] : memref<256xi32, #tpu.memory_space<vmem>> -> memref<32xi32, #tpu.memory_space<vmem>>
    %dma_wait3A_85 = arith.constant 0 : i32
    %dma_wait3A_86 = arith.constant 0 : i32
    %dma_wait3A_87 = tpu.memref_slice %arg3[%dma_wait3A_85, %dma_wait3A_86] : memref<100000x768xf32, #tpu.memory_space<hbm>> -> memref<100000x768xf32, #tpu.memory_space<hbm>>
    tpu.wait_indirect_dma semaphore(%arg12 : memref<!tpu.dma_semaphore, #tpu.memory_space<semaphore_mem>>) src(%dma_wait3A_87 : memref<100000x768xf32, #tpu.memory_space<hbm>>) dst(%arg9 : memref<32x768xf32, #tpu.memory_space<vmem>>)
    %parallel_loop3A_88 = arith.constant 0 : i32
    %parallel_loop3A_89 = arith.constant 1536 : i32
    %parallel_loop3A_90 = arith.constant 1 : i32
    scf.for %parallel_loop3A_260 = %parallel_loop3A_88 to %parallel_loop3A_89 step %parallel_loop3A_90  : i32 {
      %parallel_loop3A_261 = arith.constant 48 : i32
      %parallel_loop3A_262 = arith.divsi %parallel_loop3A_260, %parallel_loop3A_261 : i32
      %parallel_loop3A_263 = arith.constant 0 : i32
      %parallel_loop3A_264 = arith.cmpi sgt, %parallel_loop3A_260, %parallel_loop3A_263 : i32
      %parallel_loop3A_265 = arith.extui %parallel_loop3A_264 : i1 to i32
      %parallel_loop3A_266 = arith.constant 0 : i32
      %parallel_loop3A_267 = arith.cmpi slt, %parallel_loop3A_260, %parallel_loop3A_266 : i32
      %parallel_loop3A_268 = arith.extui %parallel_loop3A_267 : i1 to i32
      %parallel_loop3A_269 = arith.subi %parallel_loop3A_265, %parallel_loop3A_268 : i32
      %parallel_loop3A_270 = arith.constant 0 : i32
      %parallel_loop3A_271 = arith.cmpi sgt, %parallel_loop3A_261, %parallel_loop3A_270 : i32
      %parallel_loop3A_272 = arith.extui %parallel_loop3A_271 : i1 to i32
      %parallel_loop3A_273 = arith.constant 0 : i32
      %parallel_loop3A_274 = arith.cmpi slt, %parallel_loop3A_261, %parallel_loop3A_273 : i32
      %parallel_loop3A_275 = arith.extui %parallel_loop3A_274 : i1 to i32
      %parallel_loop3A_276 = arith.subi %parallel_loop3A_272, %parallel_loop3A_275 : i32
      %parallel_loop3A_277 = arith.cmpi ne, %parallel_loop3A_269, %parallel_loop3A_276 : i32
      %parallel_loop3A_278 = arith.remsi %parallel_loop3A_260, %parallel_loop3A_261 : i32
      %parallel_loop3A_279 = arith.constant 0 : i32
      %parallel_loop3A_280 = arith.cmpi ne, %parallel_loop3A_278, %parallel_loop3A_279 : i32
      %parallel_loop3A_281 = arith.andi %parallel_loop3A_277, %parallel_loop3A_280 : i1
      %parallel_loop3A_282 = arith.constant 1 : i32
      %parallel_loop3A_283 = arith.subi %parallel_loop3A_262, %parallel_loop3A_282 : i32
      %parallel_loop3A_284 = arith.select %parallel_loop3A_281, %parallel_loop3A_283, %parallel_loop3A_262 : i32
      %parallel_loop3A_285 = arith.constant 48 : i32
      %parallel_loop3A_286 = arith.constant 0 : i32
      %parallel_loop3A_287 = arith.cmpi eq, %parallel_loop3A_285, %parallel_loop3A_286 : i32
      %parallel_loop3A_288 = arith.constant 1 : i32
      %parallel_loop3A_289 = arith.select %parallel_loop3A_287, %parallel_loop3A_288, %parallel_loop3A_285 : i32
      %parallel_loop3A_290 = arith.remsi %parallel_loop3A_260, %parallel_loop3A_289 : i32
      %parallel_loop3A_291 = arith.constant 0 : i32
      %parallel_loop3A_292 = arith.cmpi ne, %parallel_loop3A_290, %parallel_loop3A_291 : i32
      %parallel_loop3A_293 = arith.constant 0 : i32
      %parallel_loop3A_294 = arith.cmpi slt, %parallel_loop3A_290, %parallel_loop3A_293 : i32
      %parallel_loop3A_295 = arith.constant 0 : i32
      %parallel_loop3A_296 = arith.cmpi slt, %parallel_loop3A_289, %parallel_loop3A_295 : i32
      %parallel_loop3A_297 = arith.xori %parallel_loop3A_294, %parallel_loop3A_296 : i1
      %parallel_loop3A_298 = arith.andi %parallel_loop3A_297, %parallel_loop3A_292 : i1
      %parallel_loop3A_299 = arith.addi %parallel_loop3A_290, %parallel_loop3A_289 : i32
      %parallel_loop3A_300 = arith.select %parallel_loop3A_298, %parallel_loop3A_299, %parallel_loop3A_290 : i32
      %parallel_loop3A_301 = arith.constant 16 : i32
      %parallel_loop3A_302 = arith.muli %parallel_loop3A_300, %parallel_loop3A_301 : i32
      %parallel_loop3A_303 = arith.constant 32 : i32
      %parallel_loop3A_304 = arith.addi %parallel_loop3A_303, %parallel_loop3A_284 : i32
      %parallel_loop3A_305 = arith.index_cast %parallel_loop3A_304 : i32 to index
      %parallel_loop3A_306 = arith.index_cast %parallel_loop3A_302 : i32 to index
      %parallel_loop3A_307 = tpu.vector_load %arg7[%parallel_loop3A_305, %parallel_loop3A_306] {strides = array<i32>} : memref<64x768xf32, #tpu.memory_space<vmem>>, vector<1x16xf32>,
      %parallel_loop3A_308 = vector.shape_cast %parallel_loop3A_307 : vector<1x16xf32> to vector<16xf32>
      %parallel_loop3A_309 = arith.index_cast %parallel_loop3A_284 : i32 to index
      %parallel_loop3A_310 = arith.index_cast %parallel_loop3A_302 : i32 to index
      %parallel_loop3A_311 = tpu.vector_load %arg9[%parallel_loop3A_309, %parallel_loop3A_310] {strides = array<i32>} : memref<32x768xf32, #tpu.memory_space<vmem>>, vector<1x16xf32>,
      %parallel_loop3A_312 = vector.shape_cast %parallel_loop3A_311 : vector<1x16xf32> to vector<16xf32>
      %parallel_loop3A_313 = vector.shape_cast %parallel_loop3A_308 : vector<16xf32> to vector<1x16xf32>
      tpu.vector_store %arg9[%parallel_loop3A_309, %parallel_loop3A_310], %parallel_loop3A_313 {add = true, strides = array<i32>} : memref<32x768xf32, #tpu.memory_space<vmem>>, vector<1x16xf32>,
    } {sc.loop_unroll_factor = 8 : i64, sc.parallel_access}
    %add3A_91 = arith.constant 0 : i32
    %add3A_92 = arith.addi %add3A_91, %mul3A_2 : i32
    %add3A_93 = arith.constant 32 : i32
    %add3A_94 = arith.addi %add3A_92, %add3A_93 : i32
    %dma_start3A_95 = arith.constant 0 : i32
    %dma_start3A_96 = tpu.memref_slice %arg5[%add3A_94, %dma_start3A_95] : memref<8192x768xf32, #tpu.memory_space<hbm>> -> memref<32x768xf32, #tpu.memory_space<hbm>>
    %dma_start3A_97 = arith.constant 0 : i32
    %dma_start3A_98 = tpu.memref_slice %arg5[%add3A_94, %dma_start3A_97] : memref<8192x768xf32, #tpu.memory_space<hbm>> -> memref<32x768xf32, #tpu.memory_space<hbm>>
    tpu.enqueue_dma source(%arg9 : memref<32x768xf32, #tpu.memory_space<vmem>>) target(%dma_start3A_98 : memref<32x768xf32, #tpu.memory_space<hbm>>) target_semaphore(%arg15 : memref<!tpu.dma_semaphore, #tpu.memory_space<semaphore_mem>>)
    %dma_wait3A_99 = arith.constant 0 : i32
    %dma_wait3A_100 = tpu.memref_slice %arg5[%add3A_67, %dma_wait3A_99] : memref<8192x768xf32, #tpu.memory_space<hbm>> -> memref<32x768xf32, #tpu.memory_space<hbm>>
    %dma_wait3A_101 = arith.constant 0 : i32
    %dma_wait3A_102 = tpu.memref_slice %arg5[%add3A_67, %dma_wait3A_101] : memref<8192x768xf32, #tpu.memory_space<hbm>> -> memref<32x768xf32, #tpu.memory_space<hbm>>
    tpu.wait_dma2 semaphore(%arg14 : memref<!tpu.dma_semaphore, #tpu.memory_space<semaphore_mem>>) src(%arg8 : memref<32x768xf32, #tpu.memory_space<vmem>>) dst(%dma_wait3A_102 : memref<32x768xf32, #tpu.memory_space<hbm>>)
    %dma_start3A_103 = arith.constant 96 : i32
    %dma_start3A_104 = tpu.memref_slice %arg6[%dma_start3A_103] : memref<256xi32, #tpu.memory_space<vmem>> -> memref<32xi32, #tpu.memory_space<vmem>>
    %dma_start3A_105 = arith.constant 0 : i32
    %dma_start3A_106 = arith.constant 0 : i32
    %dma_start3A_107 = tpu.memref_slice %arg3[%dma_start3A_105, %dma_start3A_106] : memref<100000x768xf32, #tpu.memory_space<hbm>> -> memref<100000x768xf32, #tpu.memory_space<hbm>>
    tpu.enqueue_indirect_dma source(%dma_start3A_107 : memref<100000x768xf32, #tpu.memory_space<hbm>>) target(%arg8 : memref<32x768xf32, #tpu.memory_space<vmem>>) offsets(%dma_start3A_104 : memref<32xi32, #tpu.memory_space<vmem>>) semaphore(%arg11 : memref<!tpu.dma_semaphore, #tpu.memory_space<semaphore_mem>>)
    %dma_wait3A_108 = arith.constant 64 : i32
    %dma_wait3A_109 = tpu.memref_slice %arg6[%dma_wait3A_108] : memref<256xi32, #tpu.memory_space<vmem>> -> memref<32xi32, #tpu.memory_space<vmem>>
    %dma_wait3A_110 = arith.constant 0 : i32
    %dma_wait3A_111 = arith.constant 0 : i32
    %dma_wait3A_112 = tpu.memref_slice %arg3[%dma_wait3A_110, %dma_wait3A_111] : memref<100000x768xf32, #tpu.memory_space<hbm>> -> memref<100000x768xf32, #tpu.memory_space<hbm>>
    tpu.wait_indirect_dma semaphore(%arg13 : memref<!tpu.dma_semaphore, #tpu.memory_space<semaphore_mem>>) src(%dma_wait3A_112 : memref<100000x768xf32, #tpu.memory_space<hbm>>) dst(%arg10 : memref<32x768xf32, #tpu.memory_space<vmem>>)
    %parallel_loop3A_113 = arith.constant 0 : i32
    %parallel_loop3A_114 = arith.constant 1536 : i32
    %parallel_loop3A_115 = arith.constant 1 : i32
    scf.for %parallel_loop3A_260 = %parallel_loop3A_113 to %parallel_loop3A_114 step %parallel_loop3A_115  : i32 {
      %parallel_loop3A_261 = arith.constant 48 : i32
      %parallel_loop3A_262 = arith.divsi %parallel_loop3A_260, %parallel_loop3A_261 : i32
      %parallel_loop3A_263 = arith.constant 0 : i32
      %parallel_loop3A_264 = arith.cmpi sgt, %parallel_loop3A_260, %parallel_loop3A_263 : i32
      %parallel_loop3A_265 = arith.extui %parallel_loop3A_264 : i1 to i32
      %parallel_loop3A_266 = arith.constant 0 : i32
      %parallel_loop3A_267 = arith.cmpi slt, %parallel_loop3A_260, %parallel_loop3A_266 : i32
      %parallel_loop3A_268 = arith.extui %parallel_loop3A_267 : i1 to i32
      %parallel_loop3A_269 = arith.subi %parallel_loop3A_265, %parallel_loop3A_268 : i32
      %parallel_loop3A_270 = arith.constant 0 : i32
      %parallel_loop3A_271 = arith.cmpi sgt, %parallel_loop3A_261, %parallel_loop3A_270 : i32
      %parallel_loop3A_272 = arith.extui %parallel_loop3A_271 : i1 to i32
      %parallel_loop3A_273 = arith.constant 0 : i32
      %parallel_loop3A_274 = arith.cmpi slt, %parallel_loop3A_261, %parallel_loop3A_273 : i32
      %parallel_loop3A_275 = arith.extui %parallel_loop3A_274 : i1 to i32
      %parallel_loop3A_276 = arith.subi %parallel_loop3A_272, %parallel_loop3A_275 : i32
      %parallel_loop3A_277 = arith.cmpi ne, %parallel_loop3A_269, %parallel_loop3A_276 : i32
      %parallel_loop3A_278 = arith.remsi %parallel_loop3A_260, %parallel_loop3A_261 : i32
      %parallel_loop3A_279 = arith.constant 0 : i32
      %parallel_loop3A_280 = arith.cmpi ne, %parallel_loop3A_278, %parallel_loop3A_279 : i32
      %parallel_loop3A_281 = arith.andi %parallel_loop3A_277, %parallel_loop3A_280 : i1
      %parallel_loop3A_282 = arith.constant 1 : i32
      %parallel_loop3A_283 = arith.subi %parallel_loop3A_262, %parallel_loop3A_282 : i32
      %parallel_loop3A_284 = arith.select %parallel_loop3A_281, %parallel_loop3A_283, %parallel_loop3A_262 : i32
      %parallel_loop3A_285 = arith.constant 48 : i32
      %parallel_loop3A_286 = arith.constant 0 : i32
      %parallel_loop3A_287 = arith.cmpi eq, %parallel_loop3A_285, %parallel_loop3A_286 : i32
      %parallel_loop3A_288 = arith.constant 1 : i32
      %parallel_loop3A_289 = arith.select %parallel_loop3A_287, %parallel_loop3A_288, %parallel_loop3A_285 : i32
      %parallel_loop3A_290 = arith.remsi %parallel_loop3A_260, %parallel_loop3A_289 : i32
      %parallel_loop3A_291 = arith.constant 0 : i32
      %parallel_loop3A_292 = arith.cmpi ne, %parallel_loop3A_290, %parallel_loop3A_291 : i32
      %parallel_loop3A_293 = arith.constant 0 : i32
      %parallel_loop3A_294 = arith.cmpi slt, %parallel_loop3A_290, %parallel_loop3A_293 : i32
      %parallel_loop3A_295 = arith.constant 0 : i32
      %parallel_loop3A_296 = arith.cmpi slt, %parallel_loop3A_289, %parallel_loop3A_295 : i32
      %parallel_loop3A_297 = arith.xori %parallel_loop3A_294, %parallel_loop3A_296 : i1
      %parallel_loop3A_298 = arith.andi %parallel_loop3A_297, %parallel_loop3A_292 : i1
      %parallel_loop3A_299 = arith.addi %parallel_loop3A_290, %parallel_loop3A_289 : i32
      %parallel_loop3A_300 = arith.select %parallel_loop3A_298, %parallel_loop3A_299, %parallel_loop3A_290 : i32
      %parallel_loop3A_301 = arith.constant 16 : i32
      %parallel_loop3A_302 = arith.muli %parallel_loop3A_300, %parallel_loop3A_301 : i32
      %parallel_loop3A_303 = arith.constant 0 : i32
      %parallel_loop3A_304 = arith.addi %parallel_loop3A_303, %parallel_loop3A_284 : i32
      %parallel_loop3A_305 = arith.index_cast %parallel_loop3A_304 : i32 to index
      %parallel_loop3A_306 = arith.index_cast %parallel_loop3A_302 : i32 to index
      %parallel_loop3A_307 = tpu.vector_load %arg7[%parallel_loop3A_305, %parallel_loop3A_306] {strides = array<i32>} : memref<64x768xf32, #tpu.memory_space<vmem>>, vector<1x16xf32>,
      %parallel_loop3A_308 = vector.shape_cast %parallel_loop3A_307 : vector<1x16xf32> to vector<16xf32>
      %parallel_loop3A_309 = arith.index_cast %parallel_loop3A_284 : i32 to index
      %parallel_loop3A_310 = arith.index_cast %parallel_loop3A_302 : i32 to index
      %parallel_loop3A_311 = tpu.vector_load %arg10[%parallel_loop3A_309, %parallel_loop3A_310] {strides = array<i32>} : memref<32x768xf32, #tpu.memory_space<vmem>>, vector<1x16xf32>,
      %parallel_loop3A_312 = vector.shape_cast %parallel_loop3A_311 : vector<1x16xf32> to vector<16xf32>
      %parallel_loop3A_313 = vector.shape_cast %parallel_loop3A_308 : vector<16xf32> to vector<1x16xf32>
      tpu.vector_store %arg10[%parallel_loop3A_309, %parallel_loop3A_310], %parallel_loop3A_313 {add = true, strides = array<i32>} : memref<32x768xf32, #tpu.memory_space<vmem>>, vector<1x16xf32>,
    } {sc.loop_unroll_factor = 8 : i64, sc.parallel_access}
    %add3A_116 = arith.constant 2048 : i32
    %add3A_117 = arith.addi %add3A_116, %mul3A_2 : i32
    %add3A_118 = arith.constant 0 : i32
    %add3A_119 = arith.addi %add3A_117, %add3A_118 : i32
    %dma_start3A_120 = arith.constant 0 : i32
    %dma_start3A_121 = tpu.memref_slice %arg5[%add3A_119, %dma_start3A_120] : memref<8192x768xf32, #tpu.memory_space<hbm>> -> memref<32x768xf32, #tpu.memory_space<hbm>>
    %dma_start3A_122 = arith.constant 0 : i32
    %dma_start3A_123 = tpu.memref_slice %arg5[%add3A_119, %dma_start3A_122] : memref<8192x768xf32, #tpu.memory_space<hbm>> -> memref<32x768xf32, #tpu.memory_space<hbm>>
    tpu.enqueue_dma source(%arg10 : memref<32x768xf32, #tpu.memory_space<vmem>>) target(%dma_start3A_123 : memref<32x768xf32, #tpu.memory_space<hbm>>) target_semaphore(%arg16 : memref<!tpu.dma_semaphore, #tpu.memory_space<semaphore_mem>>)
    %dma_wait3A_124 = arith.constant 128 : i32
    %dma_wait3A_125 = tpu.memref_slice %arg6[%dma_wait3A_124] : memref<256xi32, #tpu.memory_space<vmem>> -> memref<64xi32, #tpu.memory_space<vmem>>
    %dma_wait3A_126 = tpu.memref_slice %arg2[%add3A_19] : memref<8192xi32, #tpu.memory_space<hbm>> -> memref<64xi32, #tpu.memory_space<hbm>>
    %dma_wait3A_127 = arith.constant 128 : i32
    %dma_wait3A_128 = tpu.memref_slice %arg6[%dma_wait3A_127] : memref<256xi32, #tpu.memory_space<vmem>> -> memref<64xi32, #tpu.memory_space<vmem>>
    %dma_wait3A_129 = tpu.memref_slice %arg2[%add3A_19] : memref<8192xi32, #tpu.memory_space<hbm>> -> memref<64xi32, #tpu.memory_space<hbm>>
    tpu.wait_dma2 semaphore(%arg20 : memref<!tpu.dma_semaphore, #tpu.memory_space<semaphore_mem>>) src(%dma_wait3A_129 : memref<64xi32, #tpu.memory_space<hbm>>) dst(%dma_wait3A_128 : memref<64xi32, #tpu.memory_space<vmem>>)
    %dma_wait3A_130 = arith.constant 0 : i32
    %dma_wait3A_131 = tpu.memref_slice %arg5[%add3A_94, %dma_wait3A_130] : memref<8192x768xf32, #tpu.memory_space<hbm>> -> memref<32x768xf32, #tpu.memory_space<hbm>>
    %dma_wait3A_132 = arith.constant 0 : i32
    %dma_wait3A_133 = tpu.memref_slice %arg5[%add3A_94, %dma_wait3A_132] : memref<8192x768xf32, #tpu.memory_space<hbm>> -> memref<32x768xf32, #tpu.memory_space<hbm>>
    tpu.wait_dma2 semaphore(%arg15 : memref<!tpu.dma_semaphore, #tpu.memory_space<semaphore_mem>>) src(%arg9 : memref<32x768xf32, #tpu.memory_space<vmem>>) dst(%dma_wait3A_133 : memref<32x768xf32, #tpu.memory_space<hbm>>)
    %dma_start3A_134 = arith.constant 128 : i32
    %dma_start3A_135 = tpu.memref_slice %arg6[%dma_start3A_134] : memref<256xi32, #tpu.memory_space<vmem>> -> memref<32xi32, #tpu.memory_space<vmem>>
    %dma_start3A_136 = arith.constant 0 : i32
    %dma_start3A_137 = arith.constant 0 : i32
    %dma_start3A_138 = tpu.memref_slice %arg3[%dma_start3A_136, %dma_start3A_137] : memref<100000x768xf32, #tpu.memory_space<hbm>> -> memref<100000x768xf32, #tpu.memory_space<hbm>>
    tpu.enqueue_indirect_dma source(%dma_start3A_138 : memref<100000x768xf32, #tpu.memory_space<hbm>>) target(%arg9 : memref<32x768xf32, #tpu.memory_space<vmem>>) offsets(%dma_start3A_135 : memref<32xi32, #tpu.memory_space<vmem>>) semaphore(%arg12 : memref<!tpu.dma_semaphore, #tpu.memory_space<semaphore_mem>>)
    %dma_wait3A_139 = arith.constant 96 : i32
    %dma_wait3A_140 = tpu.memref_slice %arg6[%dma_wait3A_139] : memref<256xi32, #tpu.memory_space<vmem>> -> memref<32xi32, #tpu.memory_space<vmem>>
    %dma_wait3A_141 = arith.constant 0 : i32
    %dma_wait3A_142 = arith.constant 0 : i32
    %dma_wait3A_143 = tpu.memref_slice %arg3[%dma_wait3A_141, %dma_wait3A_142] : memref<100000x768xf32, #tpu.memory_space<hbm>> -> memref<100000x768xf32, #tpu.memory_space<hbm>>
    tpu.wait_indirect_dma semaphore(%arg11 : memref<!tpu.dma_semaphore, #tpu.memory_space<semaphore_mem>>) src(%dma_wait3A_143 : memref<100000x768xf32, #tpu.memory_space<hbm>>) dst(%arg8 : memref<32x768xf32, #tpu.memory_space<vmem>>)
    %parallel_loop3A_144 = arith.constant 0 : i32
    %parallel_loop3A_145 = arith.constant 1536 : i32
    %parallel_loop3A_146 = arith.constant 1 : i32
    scf.for %parallel_loop3A_260 = %parallel_loop3A_144 to %parallel_loop3A_145 step %parallel_loop3A_146  : i32 {
      %parallel_loop3A_261 = arith.constant 48 : i32
      %parallel_loop3A_262 = arith.divsi %parallel_loop3A_260, %parallel_loop3A_261 : i32
      %parallel_loop3A_263 = arith.constant 0 : i32
      %parallel_loop3A_264 = arith.cmpi sgt, %parallel_loop3A_260, %parallel_loop3A_263 : i32
      %parallel_loop3A_265 = arith.extui %parallel_loop3A_264 : i1 to i32
      %parallel_loop3A_266 = arith.constant 0 : i32
      %parallel_loop3A_267 = arith.cmpi slt, %parallel_loop3A_260, %parallel_loop3A_266 : i32
      %parallel_loop3A_268 = arith.extui %parallel_loop3A_267 : i1 to i32
      %parallel_loop3A_269 = arith.subi %parallel_loop3A_265, %parallel_loop3A_268 : i32
      %parallel_loop3A_270 = arith.constant 0 : i32
      %parallel_loop3A_271 = arith.cmpi sgt, %parallel_loop3A_261, %parallel_loop3A_270 : i32
      %parallel_loop3A_272 = arith.extui %parallel_loop3A_271 : i1 to i32
      %parallel_loop3A_273 = arith.constant 0 : i32
      %parallel_loop3A_274 = arith.cmpi slt, %parallel_loop3A_261, %parallel_loop3A_273 : i32
      %parallel_loop3A_275 = arith.extui %parallel_loop3A_274 : i1 to i32
      %parallel_loop3A_276 = arith.subi %parallel_loop3A_272, %parallel_loop3A_275 : i32
      %parallel_loop3A_277 = arith.cmpi ne, %parallel_loop3A_269, %parallel_loop3A_276 : i32
      %parallel_loop3A_278 = arith.remsi %parallel_loop3A_260, %parallel_loop3A_261 : i32
      %parallel_loop3A_279 = arith.constant 0 : i32
      %parallel_loop3A_280 = arith.cmpi ne, %parallel_loop3A_278, %parallel_loop3A_279 : i32
      %parallel_loop3A_281 = arith.andi %parallel_loop3A_277, %parallel_loop3A_280 : i1
      %parallel_loop3A_282 = arith.constant 1 : i32
      %parallel_loop3A_283 = arith.subi %parallel_loop3A_262, %parallel_loop3A_282 : i32
      %parallel_loop3A_284 = arith.select %parallel_loop3A_281, %parallel_loop3A_283, %parallel_loop3A_262 : i32
      %parallel_loop3A_285 = arith.constant 48 : i32
      %parallel_loop3A_286 = arith.constant 0 : i32
      %parallel_loop3A_287 = arith.cmpi eq, %parallel_loop3A_285, %parallel_loop3A_286 : i32
      %parallel_loop3A_288 = arith.constant 1 : i32
      %parallel_loop3A_289 = arith.select %parallel_loop3A_287, %parallel_loop3A_288, %parallel_loop3A_285 : i32
      %parallel_loop3A_290 = arith.remsi %parallel_loop3A_260, %parallel_loop3A_289 : i32
      %parallel_loop3A_291 = arith.constant 0 : i32
      %parallel_loop3A_292 = arith.cmpi ne, %parallel_loop3A_290, %parallel_loop3A_291 : i32
      %parallel_loop3A_293 = arith.constant 0 : i32
      %parallel_loop3A_294 = arith.cmpi slt, %parallel_loop3A_290, %parallel_loop3A_293 : i32
      %parallel_loop3A_295 = arith.constant 0 : i32
      %parallel_loop3A_296 = arith.cmpi slt, %parallel_loop3A_289, %parallel_loop3A_295 : i32
      %parallel_loop3A_297 = arith.xori %parallel_loop3A_294, %parallel_loop3A_296 : i1
      %parallel_loop3A_298 = arith.andi %parallel_loop3A_297, %parallel_loop3A_292 : i1
      %parallel_loop3A_299 = arith.addi %parallel_loop3A_290, %parallel_loop3A_289 : i32
      %parallel_loop3A_300 = arith.select %parallel_loop3A_298, %parallel_loop3A_299, %parallel_loop3A_290 : i32
      %parallel_loop3A_301 = arith.constant 16 : i32
      %parallel_loop3A_302 = arith.muli %parallel_loop3A_300, %parallel_loop3A_301 : i32
      %parallel_loop3A_303 = arith.constant 32 : i32
      %parallel_loop3A_304 = arith.addi %parallel_loop3A_303, %parallel_loop3A_284 : i32
      %parallel_loop3A_305 = arith.index_cast %parallel_loop3A_304 : i32 to index
      %parallel_loop3A_306 = arith.index_cast %parallel_loop3A_302 : i32 to index
      %parallel_loop3A_307 = tpu.vector_load %arg7[%parallel_loop3A_305, %parallel_loop3A_306] {strides = array<i32>} : memref<64x768xf32, #tpu.memory_space<vmem>>, vector<1x16xf32>,
      %parallel_loop3A_308 = vector.shape_cast %parallel_loop3A_307 : vector<1x16xf32> to vector<16xf32>
      %parallel_loop3A_309 = arith.index_cast %parallel_loop3A_284 : i32 to index
      %parallel_loop3A_310 = arith.index_cast %parallel_loop3A_302 : i32 to index
      %parallel_loop3A_311 = tpu.vector_load %arg8[%parallel_loop3A_309, %parallel_loop3A_310] {strides = array<i32>} : memref<32x768xf32, #tpu.memory_space<vmem>>, vector<1x16xf32>,
      %parallel_loop3A_312 = vector.shape_cast %parallel_loop3A_311 : vector<1x16xf32> to vector<16xf32>
      %parallel_loop3A_313 = vector.shape_cast %parallel_loop3A_308 : vector<16xf32> to vector<1x16xf32>
      tpu.vector_store %arg8[%parallel_loop3A_309, %parallel_loop3A_310], %parallel_loop3A_313 {add = true, strides = array<i32>} : memref<32x768xf32, #tpu.memory_space<vmem>>, vector<1x16xf32>,
    } {sc.loop_unroll_factor = 8 : i64, sc.parallel_access}
    %add3A_147 = arith.constant 2048 : i32
    %add3A_148 = arith.addi %add3A_147, %mul3A_2 : i32
    %add3A_149 = arith.constant 32 : i32
    %add3A_150 = arith.addi %add3A_148, %add3A_149 : i32
    %dma_start3A_151 = arith.constant 0 : i32
    %dma_start3A_152 = tpu.memref_slice %arg5[%add3A_150, %dma_start3A_151] : memref<8192x768xf32, #tpu.memory_space<hbm>> -> memref<32x768xf32, #tpu.memory_space<hbm>>
    %dma_start3A_153 = arith.constant 0 : i32
    %dma_start3A_154 = tpu.memref_slice %arg5[%add3A_150, %dma_start3A_153] : memref<8192x768xf32, #tpu.memory_space<hbm>> -> memref<32x768xf32, #tpu.memory_space<hbm>>
    tpu.enqueue_dma source(%arg8 : memref<32x768xf32, #tpu.memory_space<vmem>>) target(%dma_start3A_154 : memref<32x768xf32, #tpu.memory_space<hbm>>) target_semaphore(%arg14 : memref<!tpu.dma_semaphore, #tpu.memory_space<semaphore_mem>>)
    %dma_wait3A_155 = arith.constant 0 : i32
    %dma_wait3A_156 = tpu.memref_slice %arg5[%add3A_119, %dma_wait3A_155] : memref<8192x768xf32, #tpu.memory_space<hbm>> -> memref<32x768xf32, #tpu.memory_space<hbm>>
    %dma_wait3A_157 = arith.constant 0 : i32
    %dma_wait3A_158 = tpu.memref_slice %arg5[%add3A_119, %dma_wait3A_157] : memref<8192x768xf32, #tpu.memory_space<hbm>> -> memref<32x768xf32, #tpu.memory_space<hbm>>
    tpu.wait_dma2 semaphore(%arg16 : memref<!tpu.dma_semaphore, #tpu.memory_space<semaphore_mem>>) src(%arg10 : memref<32x768xf32, #tpu.memory_space<vmem>>) dst(%dma_wait3A_158 : memref<32x768xf32, #tpu.memory_space<hbm>>)
    %dma_start3A_159 = arith.constant 160 : i32
    %dma_start3A_160 = tpu.memref_slice %arg6[%dma_start3A_159] : memref<256xi32, #tpu.memory_space<vmem>> -> memref<32xi32, #tpu.memory_space<vmem>>
    %dma_start3A_161 = arith.constant 0 : i32
    %dma_start3A_162 = arith.constant 0 : i32
    %dma_start3A_163 = tpu.memref_slice %arg3[%dma_start3A_161, %dma_start3A_162] : memref<100000x768xf32, #tpu.memory_space<hbm>> -> memref<100000x768xf32, #tpu.memory_space<hbm>>
    tpu.enqueue_indirect_dma source(%dma_start3A_163 : memref<100000x768xf32, #tpu.memory_space<hbm>>) target(%arg10 : memref<32x768xf32, #tpu.memory_space<vmem>>) offsets(%dma_start3A_160 : memref<32xi32, #tpu.memory_space<vmem>>) semaphore(%arg13 : memref<!tpu.dma_semaphore, #tpu.memory_space<semaphore_mem>>)
    %dma_wait3A_164 = arith.constant 128 : i32
    %dma_wait3A_165 = tpu.memref_slice %arg6[%dma_wait3A_164] : memref<256xi32, #tpu.memory_space<vmem>> -> memref<32xi32, #tpu.memory_space<vmem>>
    %dma_wait3A_166 = arith.constant 0 : i32
    %dma_wait3A_167 = arith.constant 0 : i32
    %dma_wait3A_168 = tpu.memref_slice %arg3[%dma_wait3A_166, %dma_wait3A_167] : memref<100000x768xf32, #tpu.memory_space<hbm>> -> memref<100000x768xf32, #tpu.memory_space<hbm>>
    tpu.wait_indirect_dma semaphore(%arg12 : memref<!tpu.dma_semaphore, #tpu.memory_space<semaphore_mem>>) src(%dma_wait3A_168 : memref<100000x768xf32, #tpu.memory_space<hbm>>) dst(%arg9 : memref<32x768xf32, #tpu.memory_space<vmem>>)
    %parallel_loop3A_169 = arith.constant 0 : i32
    %parallel_loop3A_170 = arith.constant 1536 : i32
    %parallel_loop3A_171 = arith.constant 1 : i32
    scf.for %parallel_loop3A_260 = %parallel_loop3A_169 to %parallel_loop3A_170 step %parallel_loop3A_171  : i32 {
      %parallel_loop3A_261 = arith.constant 48 : i32
      %parallel_loop3A_262 = arith.divsi %parallel_loop3A_260, %parallel_loop3A_261 : i32
      %parallel_loop3A_263 = arith.constant 0 : i32
      %parallel_loop3A_264 = arith.cmpi sgt, %parallel_loop3A_260, %parallel_loop3A_263 : i32
      %parallel_loop3A_265 = arith.extui %parallel_loop3A_264 : i1 to i32
      %parallel_loop3A_266 = arith.constant 0 : i32
      %parallel_loop3A_267 = arith.cmpi slt, %parallel_loop3A_260, %parallel_loop3A_266 : i32
      %parallel_loop3A_268 = arith.extui %parallel_loop3A_267 : i1 to i32
      %parallel_loop3A_269 = arith.subi %parallel_loop3A_265, %parallel_loop3A_268 : i32
      %parallel_loop3A_270 = arith.constant 0 : i32
      %parallel_loop3A_271 = arith.cmpi sgt, %parallel_loop3A_261, %parallel_loop3A_270 : i32
      %parallel_loop3A_272 = arith.extui %parallel_loop3A_271 : i1 to i32
      %parallel_loop3A_273 = arith.constant 0 : i32
      %parallel_loop3A_274 = arith.cmpi slt, %parallel_loop3A_261, %parallel_loop3A_273 : i32
      %parallel_loop3A_275 = arith.extui %parallel_loop3A_274 : i1 to i32
      %parallel_loop3A_276 = arith.subi %parallel_loop3A_272, %parallel_loop3A_275 : i32
      %parallel_loop3A_277 = arith.cmpi ne, %parallel_loop3A_269, %parallel_loop3A_276 : i32
      %parallel_loop3A_278 = arith.remsi %parallel_loop3A_260, %parallel_loop3A_261 : i32
      %parallel_loop3A_279 = arith.constant 0 : i32
      %parallel_loop3A_280 = arith.cmpi ne, %parallel_loop3A_278, %parallel_loop3A_279 : i32
      %parallel_loop3A_281 = arith.andi %parallel_loop3A_277, %parallel_loop3A_280 : i1
      %parallel_loop3A_282 = arith.constant 1 : i32
      %parallel_loop3A_283 = arith.subi %parallel_loop3A_262, %parallel_loop3A_282 : i32
      %parallel_loop3A_284 = arith.select %parallel_loop3A_281, %parallel_loop3A_283, %parallel_loop3A_262 : i32
      %parallel_loop3A_285 = arith.constant 48 : i32
      %parallel_loop3A_286 = arith.constant 0 : i32
      %parallel_loop3A_287 = arith.cmpi eq, %parallel_loop3A_285, %parallel_loop3A_286 : i32
      %parallel_loop3A_288 = arith.constant 1 : i32
      %parallel_loop3A_289 = arith.select %parallel_loop3A_287, %parallel_loop3A_288, %parallel_loop3A_285 : i32
      %parallel_loop3A_290 = arith.remsi %parallel_loop3A_260, %parallel_loop3A_289 : i32
      %parallel_loop3A_291 = arith.constant 0 : i32
      %parallel_loop3A_292 = arith.cmpi ne, %parallel_loop3A_290, %parallel_loop3A_291 : i32
      %parallel_loop3A_293 = arith.constant 0 : i32
      %parallel_loop3A_294 = arith.cmpi slt, %parallel_loop3A_290, %parallel_loop3A_293 : i32
      %parallel_loop3A_295 = arith.constant 0 : i32
      %parallel_loop3A_296 = arith.cmpi slt, %parallel_loop3A_289, %parallel_loop3A_295 : i32
      %parallel_loop3A_297 = arith.xori %parallel_loop3A_294, %parallel_loop3A_296 : i1
      %parallel_loop3A_298 = arith.andi %parallel_loop3A_297, %parallel_loop3A_292 : i1
      %parallel_loop3A_299 = arith.addi %parallel_loop3A_290, %parallel_loop3A_289 : i32
      %parallel_loop3A_300 = arith.select %parallel_loop3A_298, %parallel_loop3A_299, %parallel_loop3A_290 : i32
      %parallel_loop3A_301 = arith.constant 16 : i32
      %parallel_loop3A_302 = arith.muli %parallel_loop3A_300, %parallel_loop3A_301 : i32
      %parallel_loop3A_303 = arith.constant 0 : i32
      %parallel_loop3A_304 = arith.addi %parallel_loop3A_303, %parallel_loop3A_284 : i32
      %parallel_loop3A_305 = arith.index_cast %parallel_loop3A_304 : i32 to index
      %parallel_loop3A_306 = arith.index_cast %parallel_loop3A_302 : i32 to index
      %parallel_loop3A_307 = tpu.vector_load %arg7[%parallel_loop3A_305, %parallel_loop3A_306] {strides = array<i32>} : memref<64x768xf32, #tpu.memory_space<vmem>>, vector<1x16xf32>,
      %parallel_loop3A_308 = vector.shape_cast %parallel_loop3A_307 : vector<1x16xf32> to vector<16xf32>
      %parallel_loop3A_309 = arith.index_cast %parallel_loop3A_284 : i32 to index
      %parallel_loop3A_310 = arith.index_cast %parallel_loop3A_302 : i32 to index
      %parallel_loop3A_311 = tpu.vector_load %arg9[%parallel_loop3A_309, %parallel_loop3A_310] {strides = array<i32>} : memref<32x768xf32, #tpu.memory_space<vmem>>, vector<1x16xf32>,
      %parallel_loop3A_312 = vector.shape_cast %parallel_loop3A_311 : vector<1x16xf32> to vector<16xf32>
      %parallel_loop3A_313 = vector.shape_cast %parallel_loop3A_308 : vector<16xf32> to vector<1x16xf32>
      tpu.vector_store %arg9[%parallel_loop3A_309, %parallel_loop3A_310], %parallel_loop3A_313 {add = true, strides = array<i32>} : memref<32x768xf32, #tpu.memory_space<vmem>>, vector<1x16xf32>,
    } {sc.loop_unroll_factor = 8 : i64, sc.parallel_access}
    %add3A_172 = arith.constant 4096 : i32
    %add3A_173 = arith.addi %add3A_172, %mul3A_2 : i32
    %add3A_174 = arith.constant 0 : i32
    %add3A_175 = arith.addi %add3A_173, %add3A_174 : i32
    %dma_start3A_176 = arith.constant 0 : i32
    %dma_start3A_177 = tpu.memref_slice %arg5[%add3A_175, %dma_start3A_176] : memref<8192x768xf32, #tpu.memory_space<hbm>> -> memref<32x768xf32, #tpu.memory_space<hbm>>
    %dma_start3A_178 = arith.constant 0 : i32
    %dma_start3A_179 = tpu.memref_slice %arg5[%add3A_175, %dma_start3A_178] : memref<8192x768xf32, #tpu.memory_space<hbm>> -> memref<32x768xf32, #tpu.memory_space<hbm>>
    tpu.enqueue_dma source(%arg9 : memref<32x768xf32, #tpu.memory_space<vmem>>) target(%dma_start3A_179 : memref<32x768xf32, #tpu.memory_space<hbm>>) target_semaphore(%arg15 : memref<!tpu.dma_semaphore, #tpu.memory_space<semaphore_mem>>)
    %dma_wait3A_180 = arith.constant 192 : i32
    %dma_wait3A_181 = tpu.memref_slice %arg6[%dma_wait3A_180] : memref<256xi32, #tpu.memory_space<vmem>> -> memref<64xi32, #tpu.memory_space<vmem>>
    %dma_wait3A_182 = tpu.memref_slice %arg2[%add3A_27] : memref<8192xi32, #tpu.memory_space<hbm>> -> memref<64xi32, #tpu.memory_space<hbm>>
    %dma_wait3A_183 = arith.constant 192 : i32
    %dma_wait3A_184 = tpu.memref_slice %arg6[%dma_wait3A_183] : memref<256xi32, #tpu.memory_space<vmem>> -> memref<64xi32, #tpu.memory_space<vmem>>
    %dma_wait3A_185 = tpu.memref_slice %arg2[%add3A_27] : memref<8192xi32, #tpu.memory_space<hbm>> -> memref<64xi32, #tpu.memory_space<hbm>>
    tpu.wait_dma2 semaphore(%arg21 : memref<!tpu.dma_semaphore, #tpu.memory_space<semaphore_mem>>) src(%dma_wait3A_185 : memref<64xi32, #tpu.memory_space<hbm>>) dst(%dma_wait3A_184 : memref<64xi32, #tpu.memory_space<vmem>>)
    %dma_wait3A_186 = arith.constant 0 : i32
    %dma_wait3A_187 = tpu.memref_slice %arg5[%add3A_150, %dma_wait3A_186] : memref<8192x768xf32, #tpu.memory_space<hbm>> -> memref<32x768xf32, #tpu.memory_space<hbm>>
    %dma_wait3A_188 = arith.constant 0 : i32
    %dma_wait3A_189 = tpu.memref_slice %arg5[%add3A_150, %dma_wait3A_188] : memref<8192x768xf32, #tpu.memory_space<hbm>> -> memref<32x768xf32, #tpu.memory_space<hbm>>
    tpu.wait_dma2 semaphore(%arg14 : memref<!tpu.dma_semaphore, #tpu.memory_space<semaphore_mem>>) src(%arg8 : memref<32x768xf32, #tpu.memory_space<vmem>>) dst(%dma_wait3A_189 : memref<32x768xf32, #tpu.memory_space<hbm>>)
    %dma_start3A_190 = arith.constant 192 : i32
    %dma_start3A_191 = tpu.memref_slice %arg6[%dma_start3A_190] : memref<256xi32, #tpu.memory_space<vmem>> -> memref<32xi32, #tpu.memory_space<vmem>>
    %dma_start3A_192 = arith.constant 0 : i32
    %dma_start3A_193 = arith.constant 0 : i32
    %dma_start3A_194 = tpu.memref_slice %arg3[%dma_start3A_192, %dma_start3A_193] : memref<100000x768xf32, #tpu.memory_space<hbm>> -> memref<100000x768xf32, #tpu.memory_space<hbm>>
    tpu.enqueue_indirect_dma source(%dma_start3A_194 : memref<100000x768xf32, #tpu.memory_space<hbm>>) target(%arg8 : memref<32x768xf32, #tpu.memory_space<vmem>>) offsets(%dma_start3A_191 : memref<32xi32, #tpu.memory_space<vmem>>) semaphore(%arg11 : memref<!tpu.dma_semaphore, #tpu.memory_space<semaphore_mem>>)
    %dma_wait3A_195 = arith.constant 160 : i32
    %dma_wait3A_196 = tpu.memref_slice %arg6[%dma_wait3A_195] : memref<256xi32, #tpu.memory_space<vmem>> -> memref<32xi32, #tpu.memory_space<vmem>>
    %dma_wait3A_197 = arith.constant 0 : i32
    %dma_wait3A_198 = arith.constant 0 : i32
    %dma_wait3A_199 = tpu.memref_slice %arg3[%dma_wait3A_197, %dma_wait3A_198] : memref<100000x768xf32, #tpu.memory_space<hbm>> -> memref<100000x768xf32, #tpu.memory_space<hbm>>
    tpu.wait_indirect_dma semaphore(%arg13 : memref<!tpu.dma_semaphore, #tpu.memory_space<semaphore_mem>>) src(%dma_wait3A_199 : memref<100000x768xf32, #tpu.memory_space<hbm>>) dst(%arg10 : memref<32x768xf32, #tpu.memory_space<vmem>>)
    %parallel_loop3A_200 = arith.constant 0 : i32
    %parallel_loop3A_201 = arith.constant 1536 : i32
    %parallel_loop3A_202 = arith.constant 1 : i32
    scf.for %parallel_loop3A_260 = %parallel_loop3A_200 to %parallel_loop3A_201 step %parallel_loop3A_202  : i32 {
      %parallel_loop3A_261 = arith.constant 48 : i32
      %parallel_loop3A_262 = arith.divsi %parallel_loop3A_260, %parallel_loop3A_261 : i32
      %parallel_loop3A_263 = arith.constant 0 : i32
      %parallel_loop3A_264 = arith.cmpi sgt, %parallel_loop3A_260, %parallel_loop3A_263 : i32
      %parallel_loop3A_265 = arith.extui %parallel_loop3A_264 : i1 to i32
      %parallel_loop3A_266 = arith.constant 0 : i32
      %parallel_loop3A_267 = arith.cmpi slt, %parallel_loop3A_260, %parallel_loop3A_266 : i32
      %parallel_loop3A_268 = arith.extui %parallel_loop3A_267 : i1 to i32
      %parallel_loop3A_269 = arith.subi %parallel_loop3A_265, %parallel_loop3A_268 : i32
      %parallel_loop3A_270 = arith.constant 0 : i32
      %parallel_loop3A_271 = arith.cmpi sgt, %parallel_loop3A_261, %parallel_loop3A_270 : i32
      %parallel_loop3A_272 = arith.extui %parallel_loop3A_271 : i1 to i32
      %parallel_loop3A_273 = arith.constant 0 : i32
      %parallel_loop3A_274 = arith.cmpi slt, %parallel_loop3A_261, %parallel_loop3A_273 : i32
      %parallel_loop3A_275 = arith.extui %parallel_loop3A_274 : i1 to i32
      %parallel_loop3A_276 = arith.subi %parallel_loop3A_272, %parallel_loop3A_275 : i32
      %parallel_loop3A_277 = arith.cmpi ne, %parallel_loop3A_269, %parallel_loop3A_276 : i32
      %parallel_loop3A_278 = arith.remsi %parallel_loop3A_260, %parallel_loop3A_261 : i32
      %parallel_loop3A_279 = arith.constant 0 : i32
      %parallel_loop3A_280 = arith.cmpi ne, %parallel_loop3A_278, %parallel_loop3A_279 : i32
      %parallel_loop3A_281 = arith.andi %parallel_loop3A_277, %parallel_loop3A_280 : i1
      %parallel_loop3A_282 = arith.constant 1 : i32
      %parallel_loop3A_283 = arith.subi %parallel_loop3A_262, %parallel_loop3A_282 : i32
      %parallel_loop3A_284 = arith.select %parallel_loop3A_281, %parallel_loop3A_283, %parallel_loop3A_262 : i32
      %parallel_loop3A_285 = arith.constant 48 : i32
      %parallel_loop3A_286 = arith.constant 0 : i32
      %parallel_loop3A_287 = arith.cmpi eq, %parallel_loop3A_285, %parallel_loop3A_286 : i32
      %parallel_loop3A_288 = arith.constant 1 : i32
      %parallel_loop3A_289 = arith.select %parallel_loop3A_287, %parallel_loop3A_288, %parallel_loop3A_285 : i32
      %parallel_loop3A_290 = arith.remsi %parallel_loop3A_260, %parallel_loop3A_289 : i32
      %parallel_loop3A_291 = arith.constant 0 : i32
      %parallel_loop3A_292 = arith.cmpi ne, %parallel_loop3A_290, %parallel_loop3A_291 : i32
      %parallel_loop3A_293 = arith.constant 0 : i32
      %parallel_loop3A_294 = arith.cmpi slt, %parallel_loop3A_290, %parallel_loop3A_293 : i32
      %parallel_loop3A_295 = arith.constant 0 : i32
      %parallel_loop3A_296 = arith.cmpi slt, %parallel_loop3A_289, %parallel_loop3A_295 : i32
      %parallel_loop3A_297 = arith.xori %parallel_loop3A_294, %parallel_loop3A_296 : i1
      %parallel_loop3A_298 = arith.andi %parallel_loop3A_297, %parallel_loop3A_292 : i1
      %parallel_loop3A_299 = arith.addi %parallel_loop3A_290, %parallel_loop3A_289 : i32
      %parallel_loop3A_300 = arith.select %parallel_loop3A_298, %parallel_loop3A_299, %parallel_loop3A_290 : i32
      %parallel_loop3A_301 = arith.constant 16 : i32
      %parallel_loop3A_302 = arith.muli %parallel_loop3A_300, %parallel_loop3A_301 : i32
      %parallel_loop3A_303 = arith.constant 32 : i32
      %parallel_loop3A_304 = arith.addi %parallel_loop3A_303, %parallel_loop3A_284 : i32
      %parallel_loop3A_305 = arith.index_cast %parallel_loop3A_304 : i32 to index
      %parallel_loop3A_306 = arith.index_cast %parallel_loop3A_302 : i32 to index
      %parallel_loop3A_307 = tpu.vector_load %arg7[%parallel_loop3A_305, %parallel_loop3A_306] {strides = array<i32>} : memref<64x768xf32, #tpu.memory_space<vmem>>, vector<1x16xf32>,
      %parallel_loop3A_308 = vector.shape_cast %parallel_loop3A_307 : vector<1x16xf32> to vector<16xf32>
      %parallel_loop3A_309 = arith.index_cast %parallel_loop3A_284 : i32 to index
      %parallel_loop3A_310 = arith.index_cast %parallel_loop3A_302 : i32 to index
      %parallel_loop3A_311 = tpu.vector_load %arg10[%parallel_loop3A_309, %parallel_loop3A_310] {strides = array<i32>} : memref<32x768xf32, #tpu.memory_space<vmem>>, vector<1x16xf32>,
      %parallel_loop3A_312 = vector.shape_cast %parallel_loop3A_311 : vector<1x16xf32> to vector<16xf32>
      %parallel_loop3A_313 = vector.shape_cast %parallel_loop3A_308 : vector<16xf32> to vector<1x16xf32>
      tpu.vector_store %arg10[%parallel_loop3A_309, %parallel_loop3A_310], %parallel_loop3A_313 {add = true, strides = array<i32>} : memref<32x768xf32, #tpu.memory_space<vmem>>, vector<1x16xf32>,
    } {sc.loop_unroll_factor = 8 : i64, sc.parallel_access}
    %add3A_203 = arith.constant 4096 : i32
    %add3A_204 = arith.addi %add3A_203, %mul3A_2 : i32
    %add3A_205 = arith.constant 32 : i32
    %add3A_206 = arith.addi %add3A_204, %add3A_205 : i32
    %dma_start3A_207 = arith.constant 0 : i32
    %dma_start3A_208 = tpu.memref_slice %arg5[%add3A_206, %dma_start3A_207] : memref<8192x768xf32, #tpu.memory_space<hbm>> -> memref<32x768xf32, #tpu.memory_space<hbm>>
    %dma_start3A_209 = arith.constant 0 : i32
    %dma_start3A_210 = tpu.memref_slice %arg5[%add3A_206, %dma_start3A_209] : memref<8192x768xf32, #tpu.memory_space<hbm>> -> memref<32x768xf32, #tpu.memory_space<hbm>>
    tpu.enqueue_dma source(%arg10 : memref<32x768xf32, #tpu.memory_space<vmem>>) target(%dma_start3A_210 : memref<32x768xf32, #tpu.memory_space<hbm>>) target_semaphore(%arg16 : memref<!tpu.dma_semaphore, #tpu.memory_space<semaphore_mem>>)
    %dma_wait3A_211 = arith.constant 0 : i32
    %dma_wait3A_212 = tpu.memref_slice %arg5[%add3A_175, %dma_wait3A_211] : memref<8192x768xf32, #tpu.memory_space<hbm>> -> memref<32x768xf32, #tpu.memory_space<hbm>>
    %dma_wait3A_213 = arith.constant 0 : i32
    %dma_wait3A_214 = tpu.memref_slice %arg5[%add3A_175, %dma_wait3A_213] : memref<8192x768xf32, #tpu.memory_space<hbm>> -> memref<32x768xf32, #tpu.memory_space<hbm>>
    tpu.wait_dma2 semaphore(%arg15 : memref<!tpu.dma_semaphore, #tpu.memory_space<semaphore_mem>>) src(%arg9 : memref<32x768xf32, #tpu.memory_space<vmem>>) dst(%dma_wait3A_214 : memref<32x768xf32, #tpu.memory_space<hbm>>)
    %dma_start3A_215 = arith.constant 224 : i32
    %dma_start3A_216 = tpu.memref_slice %arg6[%dma_start3A_215] : memref<256xi32, #tpu.memory_space<vmem>> -> memref<32xi32, #tpu.memory_space<vmem>>
    %dma_start3A_217 = arith.constant 0 : i32
    %dma_start3A_218 = arith.constant 0 : i32
    %dma_start3A_219 = tpu.memref_slice %arg3[%dma_start3A_217, %dma_start3A_218] : memref<100000x768xf32, #tpu.memory_space<hbm>> -> memref<100000x768xf32, #tpu.memory_space<hbm>>
    tpu.enqueue_indirect_dma source(%dma_start3A_219 : memref<100000x768xf32, #tpu.memory_space<hbm>>) target(%arg9 : memref<32x768xf32, #tpu.memory_space<vmem>>) offsets(%dma_start3A_216 : memref<32xi32, #tpu.memory_space<vmem>>) semaphore(%arg12 : memref<!tpu.dma_semaphore, #tpu.memory_space<semaphore_mem>>)
    %dma_wait3A_220 = arith.constant 192 : i32
    %dma_wait3A_221 = tpu.memref_slice %arg6[%dma_wait3A_220] : memref<256xi32, #tpu.memory_space<vmem>> -> memref<32xi32, #tpu.memory_space<vmem>>
    %dma_wait3A_222 = arith.constant 0 : i32
    %dma_wait3A_223 = arith.constant 0 : i32
    %dma_wait3A_224 = tpu.memref_slice %arg3[%dma_wait3A_222, %dma_wait3A_223] : memref<100000x768xf32, #tpu.memory_space<hbm>> -> memref<100000x768xf32, #tpu.memory_space<hbm>>
    tpu.wait_indirect_dma semaphore(%arg11 : memref<!tpu.dma_semaphore, #tpu.memory_space<semaphore_mem>>) src(%dma_wait3A_224 : memref<100000x768xf32, #tpu.memory_space<hbm>>) dst(%arg8 : memref<32x768xf32, #tpu.memory_space<vmem>>)
    %parallel_loop3A_225 = arith.constant 0 : i32
    %parallel_loop3A_226 = arith.constant 1536 : i32
    %parallel_loop3A_227 = arith.constant 1 : i32
    scf.for %parallel_loop3A_260 = %parallel_loop3A_225 to %parallel_loop3A_226 step %parallel_loop3A_227  : i32 {
      %parallel_loop3A_261 = arith.constant 48 : i32
      %parallel_loop3A_262 = arith.divsi %parallel_loop3A_260, %parallel_loop3A_261 : i32
      %parallel_loop3A_263 = arith.constant 0 : i32
      %parallel_loop3A_264 = arith.cmpi sgt, %parallel_loop3A_260, %parallel_loop3A_263 : i32
      %parallel_loop3A_265 = arith.extui %parallel_loop3A_264 : i1 to i32
      %parallel_loop3A_266 = arith.constant 0 : i32
      %parallel_loop3A_267 = arith.cmpi slt, %parallel_loop3A_260, %parallel_loop3A_266 : i32
      %parallel_loop3A_268 = arith.extui %parallel_loop3A_267 : i1 to i32
      %parallel_loop3A_269 = arith.subi %parallel_loop3A_265, %parallel_loop3A_268 : i32
      %parallel_loop3A_270 = arith.constant 0 : i32
      %parallel_loop3A_271 = arith.cmpi sgt, %parallel_loop3A_261, %parallel_loop3A_270 : i32
      %parallel_loop3A_272 = arith.extui %parallel_loop3A_271 : i1 to i32
      %parallel_loop3A_273 = arith.constant 0 : i32
      %parallel_loop3A_274 = arith.cmpi slt, %parallel_loop3A_261, %parallel_loop3A_273 : i32
      %parallel_loop3A_275 = arith.extui %parallel_loop3A_274 : i1 to i32
      %parallel_loop3A_276 = arith.subi %parallel_loop3A_272, %parallel_loop3A_275 : i32
      %parallel_loop3A_277 = arith.cmpi ne, %parallel_loop3A_269, %parallel_loop3A_276 : i32
      %parallel_loop3A_278 = arith.remsi %parallel_loop3A_260, %parallel_loop3A_261 : i32
      %parallel_loop3A_279 = arith.constant 0 : i32
      %parallel_loop3A_280 = arith.cmpi ne, %parallel_loop3A_278, %parallel_loop3A_279 : i32
      %parallel_loop3A_281 = arith.andi %parallel_loop3A_277, %parallel_loop3A_280 : i1
      %parallel_loop3A_282 = arith.constant 1 : i32
      %parallel_loop3A_283 = arith.subi %parallel_loop3A_262, %parallel_loop3A_282 : i32
      %parallel_loop3A_284 = arith.select %parallel_loop3A_281, %parallel_loop3A_283, %parallel_loop3A_262 : i32
      %parallel_loop3A_285 = arith.constant 48 : i32
      %parallel_loop3A_286 = arith.constant 0 : i32
      %parallel_loop3A_287 = arith.cmpi eq, %parallel_loop3A_285, %parallel_loop3A_286 : i32
      %parallel_loop3A_288 = arith.constant 1 : i32
      %parallel_loop3A_289 = arith.select %parallel_loop3A_287, %parallel_loop3A_288, %parallel_loop3A_285 : i32
      %parallel_loop3A_290 = arith.remsi %parallel_loop3A_260, %parallel_loop3A_289 : i32
      %parallel_loop3A_291 = arith.constant 0 : i32
      %parallel_loop3A_292 = arith.cmpi ne, %parallel_loop3A_290, %parallel_loop3A_291 : i32
      %parallel_loop3A_293 = arith.constant 0 : i32
      %parallel_loop3A_294 = arith.cmpi slt, %parallel_loop3A_290, %parallel_loop3A_293 : i32
      %parallel_loop3A_295 = arith.constant 0 : i32
      %parallel_loop3A_296 = arith.cmpi slt, %parallel_loop3A_289, %parallel_loop3A_295 : i32
      %parallel_loop3A_297 = arith.xori %parallel_loop3A_294, %parallel_loop3A_296 : i1
      %parallel_loop3A_298 = arith.andi %parallel_loop3A_297, %parallel_loop3A_292 : i1
      %parallel_loop3A_299 = arith.addi %parallel_loop3A_290, %parallel_loop3A_289 : i32
      %parallel_loop3A_300 = arith.select %parallel_loop3A_298, %parallel_loop3A_299, %parallel_loop3A_290 : i32
      %parallel_loop3A_301 = arith.constant 16 : i32
      %parallel_loop3A_302 = arith.muli %parallel_loop3A_300, %parallel_loop3A_301 : i32
      %parallel_loop3A_303 = arith.constant 0 : i32
      %parallel_loop3A_304 = arith.addi %parallel_loop3A_303, %parallel_loop3A_284 : i32
      %parallel_loop3A_305 = arith.index_cast %parallel_loop3A_304 : i32 to index
      %parallel_loop3A_306 = arith.index_cast %parallel_loop3A_302 : i32 to index
      %parallel_loop3A_307 = tpu.vector_load %arg7[%parallel_loop3A_305, %parallel_loop3A_306] {strides = array<i32>} : memref<64x768xf32, #tpu.memory_space<vmem>>, vector<1x16xf32>,
      %parallel_loop3A_308 = vector.shape_cast %parallel_loop3A_307 : vector<1x16xf32> to vector<16xf32>
      %parallel_loop3A_309 = arith.index_cast %parallel_loop3A_284 : i32 to index
      %parallel_loop3A_310 = arith.index_cast %parallel_loop3A_302 : i32 to index
      %parallel_loop3A_311 = tpu.vector_load %arg8[%parallel_loop3A_309, %parallel_loop3A_310] {strides = array<i32>} : memref<32x768xf32, #tpu.memory_space<vmem>>, vector<1x16xf32>,
      %parallel_loop3A_312 = vector.shape_cast %parallel_loop3A_311 : vector<1x16xf32> to vector<16xf32>
      %parallel_loop3A_313 = vector.shape_cast %parallel_loop3A_308 : vector<16xf32> to vector<1x16xf32>
      tpu.vector_store %arg8[%parallel_loop3A_309, %parallel_loop3A_310], %parallel_loop3A_313 {add = true, strides = array<i32>} : memref<32x768xf32, #tpu.memory_space<vmem>>, vector<1x16xf32>,
    } {sc.loop_unroll_factor = 8 : i64, sc.parallel_access}
    %add3A_228 = arith.constant 6144 : i32
    %add3A_229 = arith.addi %add3A_228, %mul3A_2 : i32
    %add3A_230 = arith.constant 0 : i32
    %add3A_231 = arith.addi %add3A_229, %add3A_230 : i32
    %dma_start3A_232 = arith.constant 0 : i32
    %dma_start3A_233 = tpu.memref_slice %arg5[%add3A_231, %dma_start3A_232] : memref<8192x768xf32, #tpu.memory_space<hbm>> -> memref<32x768xf32, #tpu.memory_space<hbm>>
    %dma_start3A_234 = arith.constant 0 : i32
    %dma_start3A_235 = tpu.memref_slice %arg5[%add3A_231, %dma_start3A_234] : memref<8192x768xf32, #tpu.memory_space<hbm>> -> memref<32x768xf32, #tpu.memory_space<hbm>>
    tpu.enqueue_dma source(%arg8 : memref<32x768xf32, #tpu.memory_space<vmem>>) target(%dma_start3A_235 : memref<32x768xf32, #tpu.memory_space<hbm>>) target_semaphore(%arg14 : memref<!tpu.dma_semaphore, #tpu.memory_space<semaphore_mem>>)
    %dma_wait3A_236 = arith.constant 224 : i32
    %dma_wait3A_237 = tpu.memref_slice %arg6[%dma_wait3A_236] : memref<256xi32, #tpu.memory_space<vmem>> -> memref<32xi32, #tpu.memory_space<vmem>>
    %dma_wait3A_238 = arith.constant 0 : i32
    %dma_wait3A_239 = arith.constant 0 : i32
    %dma_wait3A_240 = tpu.memref_slice %arg3[%dma_wait3A_238, %dma_wait3A_239] : memref<100000x768xf32, #tpu.memory_space<hbm>> -> memref<100000x768xf32, #tpu.memory_space<hbm>>
    tpu.wait_indirect_dma semaphore(%arg12 : memref<!tpu.dma_semaphore, #tpu.memory_space<semaphore_mem>>) src(%dma_wait3A_240 : memref<100000x768xf32, #tpu.memory_space<hbm>>) dst(%arg9 : memref<32x768xf32, #tpu.memory_space<vmem>>)
    %parallel_loop3A_241 = arith.constant 0 : i32
    %parallel_loop3A_242 = arith.constant 1536 : i32
    %parallel_loop3A_243 = arith.constant 1 : i32
    scf.for %parallel_loop3A_260 = %parallel_loop3A_241 to %parallel_loop3A_242 step %parallel_loop3A_243  : i32 {
      %parallel_loop3A_261 = arith.constant 48 : i32
      %parallel_loop3A_262 = arith.divsi %parallel_loop3A_260, %parallel_loop3A_261 : i32
      %parallel_loop3A_263 = arith.constant 0 : i32
      %parallel_loop3A_264 = arith.cmpi sgt, %parallel_loop3A_260, %parallel_loop3A_263 : i32
      %parallel_loop3A_265 = arith.extui %parallel_loop3A_264 : i1 to i32
      %parallel_loop3A_266 = arith.constant 0 : i32
      %parallel_loop3A_267 = arith.cmpi slt, %parallel_loop3A_260, %parallel_loop3A_266 : i32
      %parallel_loop3A_268 = arith.extui %parallel_loop3A_267 : i1 to i32
      %parallel_loop3A_269 = arith.subi %parallel_loop3A_265, %parallel_loop3A_268 : i32
      %parallel_loop3A_270 = arith.constant 0 : i32
      %parallel_loop3A_271 = arith.cmpi sgt, %parallel_loop3A_261, %parallel_loop3A_270 : i32
      %parallel_loop3A_272 = arith.extui %parallel_loop3A_271 : i1 to i32
      %parallel_loop3A_273 = arith.constant 0 : i32
      %parallel_loop3A_274 = arith.cmpi slt, %parallel_loop3A_261, %parallel_loop3A_273 : i32
      %parallel_loop3A_275 = arith.extui %parallel_loop3A_274 : i1 to i32
      %parallel_loop3A_276 = arith.subi %parallel_loop3A_272, %parallel_loop3A_275 : i32
      %parallel_loop3A_277 = arith.cmpi ne, %parallel_loop3A_269, %parallel_loop3A_276 : i32
      %parallel_loop3A_278 = arith.remsi %parallel_loop3A_260, %parallel_loop3A_261 : i32
      %parallel_loop3A_279 = arith.constant 0 : i32
      %parallel_loop3A_280 = arith.cmpi ne, %parallel_loop3A_278, %parallel_loop3A_279 : i32
      %parallel_loop3A_281 = arith.andi %parallel_loop3A_277, %parallel_loop3A_280 : i1
      %parallel_loop3A_282 = arith.constant 1 : i32
      %parallel_loop3A_283 = arith.subi %parallel_loop3A_262, %parallel_loop3A_282 : i32
      %parallel_loop3A_284 = arith.select %parallel_loop3A_281, %parallel_loop3A_283, %parallel_loop3A_262 : i32
      %parallel_loop3A_285 = arith.constant 48 : i32
      %parallel_loop3A_286 = arith.constant 0 : i32
      %parallel_loop3A_287 = arith.cmpi eq, %parallel_loop3A_285, %parallel_loop3A_286 : i32
      %parallel_loop3A_288 = arith.constant 1 : i32
      %parallel_loop3A_289 = arith.select %parallel_loop3A_287, %parallel_loop3A_288, %parallel_loop3A_285 : i32
      %parallel_loop3A_290 = arith.remsi %parallel_loop3A_260, %parallel_loop3A_289 : i32
      %parallel_loop3A_291 = arith.constant 0 : i32
      %parallel_loop3A_292 = arith.cmpi ne, %parallel_loop3A_290, %parallel_loop3A_291 : i32
      %parallel_loop3A_293 = arith.constant 0 : i32
      %parallel_loop3A_294 = arith.cmpi slt, %parallel_loop3A_290, %parallel_loop3A_293 : i32
      %parallel_loop3A_295 = arith.constant 0 : i32
      %parallel_loop3A_296 = arith.cmpi slt, %parallel_loop3A_289, %parallel_loop3A_295 : i32
      %parallel_loop3A_297 = arith.xori %parallel_loop3A_294, %parallel_loop3A_296 : i1
      %parallel_loop3A_298 = arith.andi %parallel_loop3A_297, %parallel_loop3A_292 : i1
      %parallel_loop3A_299 = arith.addi %parallel_loop3A_290, %parallel_loop3A_289 : i32
      %parallel_loop3A_300 = arith.select %parallel_loop3A_298, %parallel_loop3A_299, %parallel_loop3A_290 : i32
      %parallel_loop3A_301 = arith.constant 16 : i32
      %parallel_loop3A_302 = arith.muli %parallel_loop3A_300, %parallel_loop3A_301 : i32
      %parallel_loop3A_303 = arith.constant 32 : i32
      %parallel_loop3A_304 = arith.addi %parallel_loop3A_303, %parallel_loop3A_284 : i32
      %parallel_loop3A_305 = arith.index_cast %parallel_loop3A_304 : i32 to index
      %parallel_loop3A_306 = arith.index_cast %parallel_loop3A_302 : i32 to index
      %parallel_loop3A_307 = tpu.vector_load %arg7[%parallel_loop3A_305, %parallel_loop3A_306] {strides = array<i32>} : memref<64x768xf32, #tpu.memory_space<vmem>>, vector<1x16xf32>,
      %parallel_loop3A_308 = vector.shape_cast %parallel_loop3A_307 : vector<1x16xf32> to vector<16xf32>
      %parallel_loop3A_309 = arith.index_cast %parallel_loop3A_284 : i32 to index
      %parallel_loop3A_310 = arith.index_cast %parallel_loop3A_302 : i32 to index
      %parallel_loop3A_311 = tpu.vector_load %arg9[%parallel_loop3A_309, %parallel_loop3A_310] {strides = array<i32>} : memref<32x768xf32, #tpu.memory_space<vmem>>, vector<1x16xf32>,
      %parallel_loop3A_312 = vector.shape_cast %parallel_loop3A_311 : vector<1x16xf32> to vector<16xf32>
      %parallel_loop3A_313 = vector.shape_cast %parallel_loop3A_308 : vector<16xf32> to vector<1x16xf32>
      tpu.vector_store %arg9[%parallel_loop3A_309, %parallel_loop3A_310], %parallel_loop3A_313 {add = true, strides = array<i32>} : memref<32x768xf32, #tpu.memory_space<vmem>>, vector<1x16xf32>,
    } {sc.loop_unroll_factor = 8 : i64, sc.parallel_access}
    %add3A_244 = arith.constant 6144 : i32
    %add3A_245 = arith.addi %add3A_244, %mul3A_2 : i32
    %add3A_246 = arith.constant 32 : i32
    %add3A_247 = arith.addi %add3A_245, %add3A_246 : i32
    %dma_start3A_248 = arith.constant 0 : i32
    %dma_start3A_249 = tpu.memref_slice %arg5[%add3A_247, %dma_start3A_248] : memref<8192x768xf32, #tpu.memory_space<hbm>> -> memref<32x768xf32, #tpu.memory_space<hbm>>
    %dma_start3A_250 = arith.constant 0 : i32
    %dma_start3A_251 = tpu.memref_slice %arg5[%add3A_247, %dma_start3A_250] : memref<8192x768xf32, #tpu.memory_space<hbm>> -> memref<32x768xf32, #tpu.memory_space<hbm>>
    tpu.enqueue_dma source(%arg9 : memref<32x768xf32, #tpu.memory_space<vmem>>) target(%dma_start3A_251 : memref<32x768xf32, #tpu.memory_space<hbm>>) target_semaphore(%arg15 : memref<!tpu.dma_semaphore, #tpu.memory_space<semaphore_mem>>)
    %dma_wait3A_252 = arith.constant 0 : i32
    %dma_wait3A_253 = tpu.memref_slice %arg5[%add3A_231, %dma_wait3A_252] : memref<8192x768xf32, #tpu.memory_space<hbm>> -> memref<32x768xf32, #tpu.memory_space<hbm>>
    %dma_wait3A_254 = arith.constant 0 : i32
    %dma_wait3A_255 = tpu.memref_slice %arg5[%add3A_231, %dma_wait3A_254] : memref<8192x768xf32, #tpu.memory_space<hbm>> -> memref<32x768xf32, #tpu.memory_space<hbm>>
    tpu.wait_dma2 semaphore(%arg14 : memref<!tpu.dma_semaphore, #tpu.memory_space<semaphore_mem>>) src(%arg8 : memref<32x768xf32, #tpu.memory_space<vmem>>) dst(%dma_wait3A_255 : memref<32x768xf32, #tpu.memory_space<hbm>>)
    %dma_wait3A_256 = arith.constant 0 : i32
    %dma_wait3A_257 = tpu.memref_slice %arg5[%add3A_247, %dma_wait3A_256] : memref<8192x768xf32, #tpu.memory_space<hbm>> -> memref<32x768xf32, #tpu.memory_space<hbm>>
    %dma_wait3A_258 = arith.constant 0 : i32
    %dma_wait3A_259 = tpu.memref_slice %arg5[%add3A_247, %dma_wait3A_258] : memref<8192x768xf32, #tpu.memory_space<hbm>> -> memref<32x768xf32, #tpu.memory_space<hbm>>
    tpu.wait_dma2 semaphore(%arg15 : memref<!tpu.dma_semaphore, #tpu.memory_space<semaphore_mem>>) src(%arg9 : memref<32x768xf32, #tpu.memory_space<vmem>>) dst(%dma_wait3A_259 : memref<32x768xf32, #tpu.memory_space<hbm>>)
    return
  }
}

</mosaic_0001>

<sc_bundles>
// kernel: kernel.3.cloned.1.call-start
scs
__scs_entry_jumppad:
0x0: {  	(pc) =	sbr.rel $0x88, $3  }
0x1: {  	(tag) =	ssettag $0x0;
	lr =	simm.s32 $0x1  }
0x2: {  	[smem:$0x3F9E] =	sst lr;
	_ =	strace $0xD0000000  }
0x3: {  	_ = 	snop  }
0x4: {  	_ = 	snop  }
0x5: {  	_ = 	snop  }
0x6: {  	_ = 	snop  }
0x7: {  	_ = 	snop  }
__scs_overlays_trampoline_lowered:
0x8: {  	[smem:$0x3FAD] =	sst s0  }
0x9: {  	[smem:$0x3FAE] =	sst s1  }
0xa: {  	[smem:$0x3FAF] =	sst s2  }
0xb: {  	[smem:$0x3FB0] =	sst s3  }
0xc: {  	[smem:$0x3FB1] =	sst s4  }
0xd: {  	[smem:$0x3FB2] =	sst s5  }
0xe: {  	[smem:$0x3FB3] =	sst s6  }
0xf: {  	[smem:$0x3FB4] =	sst s7  }
0x10: {  	[smem:$0x3FB5] =	sst s8  }
0x11: {  	[smem:$0x3FB6] =	sst s9;
	s0 =	simm.s32 @!p0 $0x0  }
0x12: {  	s1 =	sld [smem:$0x3F9C];
	s0 =	simm.s32 @p0 $0x1  }
0x13: {  	[smem:$0x3FB7] =	sst s0;
	s0 =	simm.s32 @!p1 $0x0  }
0x14: {  	s2 =	sld [smem:$0x3F9B];
	s0 =	simm.s32 @p1 $0x1  }
0x15: {  	[smem:$0x3FB8] =	sst s0;
	s0 =	simm.s32 @!p2 $0x0  }
0x16: {  	s3 =	sld [smem:$0x3FDB];
	s0 =	simm.s32 @p2 $0x1  }
0x17: {  	s4 =	simm.s32 $0x1BF5;
	[smem:$0x3FBA] =	sst s0  }
0x18: {  	s0 =	sld [smem:$0x3F9D];
	_ =	swait.ge [sflag:s4], $0x0  }
0x19: {  	s7 =	sld [smem:$0x3F9E]  }
0x1a: {  	s8 =	sadd.s32 $0xFFFFE003, lr  }
0x1b: {  	s9 =	sadd.s32 $0xFFFFFEF7, lr;
	s5 =	simm.s32 $0xFFFFFFFF;
	p2 =	slt.u32 s8, $0xFFFFF086  }
0x1c: {  	p1 =	slt.u32 s9, $0xF7A;
	s5 =	simm.s32 @!p2 $0x0  }
0x1d: {  	s5 =	simm.s32 @p1 $0x1;
	p0 =	seq.s32 s7, s2  }
0x1e: {  	s7 =	smul.u32 @!p0 $0xF7A, s2;
	p2 =	seq.s32 @!p0 s5, $0x0  }
0x1f: {  	s9 =	smul.u32 $0xF7A, s1;
	s8 =	simm.s32 @!p0 $0x1BF5;
	p2 =	por !p2, p0  }
0x20: {  	[sflag:s8] =	ssyncset.s32 @!p0 $0xFFFFF086;
	s6 =	sadd.s32 @!p0 s3, s7;
	s7 =	simm.s32 @!p0 $0x108  }
0x21: {  	s3 =	sadd.s32 s3, s9;
	s6 =	sadd.s32 @!p0 $0x88, s6;
	s7 =	simm.s32 @p2 $0x1082  }
0x22: {  	[simem:s7], [sflag:s8] =	dma.local @!p0 [hbm:s6], $0xF7A  }
0x23: {  	s9 =	sor.u32 $0xD0000000, s2;
	s6 =	simm.s32 $0x108;
	_ =	swait.ge @!p0 [sflag:s8], $0x0  }
0x24: {  	s3 =	sadd.s32 $0x88, s3;
	s6 =	simm.s32 @!p1 $0x1082;
	[sflag:s4] =	ssyncset.s32 $0xFFFFF086  }
0x25: {  	[simem:s6], [sflag:s4] =	dma.local [hbm:s3], $0xF7A  }
0x26: {  	[smem:$0x3F9E] =	sst s1;
	(tag) =	ssettag s2;
	_ =	strace s9  }
0x27: {  	s1 =	sld [smem:$0x3FAE]  }
0x28: {  	s2 =	sld [smem:$0x3FAF]  }
0x29: {  	s4 =	sld [smem:$0x3FB1]  }
0x2a: {  	p0 =	seq.s32 s5, $0x0;
	s5 =	sld [smem:$0x3FB2]  }
0x2b: {  	s6 =	sld [smem:$0x3FB3]  }
0x2c: {  	s7 =	sld [smem:$0x3FB4]  }
0x2d: {  	s3 =	simm.s32 $0x108;
	s8 =	sld [smem:$0x3FB5]  }
0x2e: {  	s3 =	simm.s32 @!p0 $0x1082;
	s9 =	sld [smem:$0x3FB6]  }
0x2f: {  	lr =	sadd.s32 s0, s3;
	s0 =	sld [smem:$0x3FAD]  }
0x30: {  	s3 =	sld [smem:$0x3FB0]  }
0x31: {  	[smem:$0x3FB9] =	sst s10  }
0x32: {  	s10 =	sld [smem:$0x3FB7];
	_ =	sdelay $0x3  }
0x33: {  	p0 =	seq.s32 s10, $0x1;
	s10 =	sld [smem:$0x3FB9];
	_ =	sdelay $0x3  }
0x34: {  	[smem:$0x3FB9] =	sst s10  }
0x35: {  	s10 =	sld [smem:$0x3FB8];
	_ =	sdelay $0x3  }
0x36: {  	p1 =	seq.s32 s10, $0x1;
	s10 =	sld [smem:$0x3FB9];
	_ =	sdelay $0x3  }
0x37: {  	[smem:$0x3FB9] =	sst s10  }
0x38: {  	s10 =	sld [smem:$0x3FBA]  }
0x39: {  	_ = 	snop;
	(pc) =	sbr.ind lr, $3  }
0x3a: {  	_ = 	snop  }
0x3b: {  	_ = 	snop  }
0x3c: {  	p2 =	seq.s32 s10, $0x1;
	s10 =	sld [smem:$0x3FB9]  }
0x3d: {  	_ =	shalt  }
0x3e: {  	_ =	shalt  }
0x3f: {  	_ =	shalt  }
0x40: {  	_ =	shalt  }
0x41: {  	_ =	shalt  }
0x42: {  	_ =	shalt  }
0x43: {  	_ =	shalt  }
0x44: {  	_ =	shalt  }
0x45: {  	_ =	shalt  }
0x46: {  	_ =	shalt  }
0x47: {  	_ =	shalt  }
0x48: {  	_ =	shalt  }
0x49: {  	_ =	shalt  }
0x4a: {  	_ =	shalt  }
0x4b: {  	_ =	shalt  }
0x4c: {  	_ =	shalt  }
0x4d: {  	_ =	shalt  }
0x4e: {  	_ =	shalt  }
0x4f: {  	_ =	shalt  }
0x50: {  	_ =	shalt  }
0x51: {  	_ =	shalt  }
0x52: {  	_ =	shalt  }
0x53: {  	_ =	shalt  }
0x54: {  	_ =	shalt  }
0x55: {  	_ =	shalt  }
0x56: {  	_ =	shalt  }
0x57: {  	_ =	shalt  }
0x58: {  	_ =	shalt  }
0x59: {  	_ =	shalt  }
0x5a: {  	_ =	shalt  }
0x5b: {  	_ =	shalt  }
0x5c: {  	_ =	shalt  }
0x5d: {  	_ =	shalt  }
0x5e: {  	_ =	shalt  }
0x5f: {  	_ =	shalt  }
0x60: {  	_ =	shalt  }
0x61: {  	_ =	shalt  }
0x62: {  	_ =	shalt  }
0x63: {  	_ =	shalt  }
0x64: {  	_ =	shalt  }
0x65: {  	_ =	shalt  }
0x66: {  	_ =	shalt  }
0x67: {  	_ =	shalt  }
0x68: {  	_ =	shalt  }
0x69: {  	_ =	shalt  }
0x6a: {  	_ =	shalt  }
0x6b: {  	_ =	shalt  }
0x6c: {  	_ =	shalt  }
0x6d: {  	_ =	shalt  }
0x6e: {  	_ =	shalt  }
0x6f: {  	_ =	shalt  }
0x70: {  	_ =	shalt  }
0x71: {  	_ =	shalt  }
0x72: {  	_ =	shalt  }
0x73: {  	_ =	shalt  }
0x74: {  	_ =	shalt  }
0x75: {  	_ =	shalt  }
0x76: {  	_ =	shalt  }
0x77: {  	_ =	shalt  }
0x78: {  	_ =	shalt  }
0x79: {  	_ =	shalt  }
0x7a: {  	_ =	shalt  }
0x7b: {  	_ =	shalt  }
0x7c: {  	_ =	shalt  }
0x7d: {  	_ =	shalt  }
0x7e: {  	_ =	shalt  }
0x7f: {  	_ =	shalt  }
0x80: {  	_ =	shalt  }
0x81: {  	_ =	shalt  }
0x82: {  	_ =	shalt  }
0x83: {  	_ =	shalt  }
0x84: {  	_ =	shalt  }
0x85: {  	_ =	shalt  }
0x86: {  	_ =	shalt  }
0x87: {  	_ =	shalt  }
.Lfunc_end0:
.L_simem_size_0:
called_computation_lowered:
.L_overlay_start_0:
0x88: {  	s2 =	sld [smem:$0x3FD9]  }
0x89: {  	s3 =	sld [smem:$0x3FFE];
	_ =	sdelay $0x1  }
0x8a: {  	s1 =	srdreg.scid  }
0x8b: {  	s0 =	sand.u32 $0x1, s1  }
0x8c: {  	s17 =	sshll.u32 s0, $0xA;
	s2 =	sadd.s32 s3, s2  }
0x8d: {  	s2 =	sadd.s32 s2, s17  }
0x8e: {  	[smem:$0x3FC5] =	sst s2  }
0x8f: {  	_ = 	snop  }
0x90: {  	s2 =	sld [smem:$0x3FC8]  }
0x91: {  	s18 =	sld [smem:$0x3FC7]  }
0x92: {  	s4 =	sld [smem:$0x3FD0];
	(tm) =	ssettm $0x1  }
0x93: {  	s5 =	sld [smem:$0x3FFB];
	_ =	sdelay $0x3  }
0x94: {  	_ =	strace s5  }
0x95: {  	s5 =	sld [smem:$0x3FFC];
	_ =	sdelay $0x3  }
0x96: {  	_ =	strace s5  }
0x97: {  	s5 =	sld [smem:$0x3FFD];
	_ =	sdelay $0x3  }
0x98: {  	_ =	strace s5  }
0x99: {  	_ =	strace $0x8FFFFFFF  }
0x9a: {  	s19 =	sld [smem:$0x3FDB];
	_ =	sdelay $0x1  }
0x9b: {  	s6 =	simm.s32 $_scs_section_size  }
0x9c: {  	s7 =	simm.s32 $_size__tile_overlayer_lowered;
	s8 =	simm.s32 $_tile_overlayer_lowered  }
0x9d: {  	s22 =	simm.s32 $0x1BFF;
	s21 =	sshll.u32 s8, $0x1;
	s5 =	sadd.s32 s6, s19  }
0x9e: {  	s9 =	simm.s32 $0x0;
	s20 =	sshll.u32 s7, $0x1;
	s7 =	sadd.s32 s21, s5  }
0x9f: {  	[timem:s9], [sflag:s22] =	dma.local [hbm:s7], s20  }
0xa0: {  	_ =	swait.ge [sflag:s22], s20  }
0xa1: {  	s6 =	ssub.s32 $0x0, s20;
	[sflag:s22] =	ssyncset.done $0x0  }
0xa2: {  	[sflag:s22] =	ssyncadd.s32 s6;
	_ =	sdelay $0x1  }
0xa3: {  	s23 =	simm.s32 $0x1B8B  }
0xa4: {  	_ =	swait.ge [sflag:s23], $0x1  }
0xa5: {  	[sflag:s23] =	ssyncset.done $0x0  }
0xa6: {  	s25 =	simm.s32 $0x1B8E;
	s24 =	sld [smem:$0x3FFE];
	[sflag:s23] =	ssyncadd.s32 $0xFFFFFFFF  }
0xa7: {  	s26 =	simm.s32 $execute0_lowered;
	[smem:$0x3FD2] =	sst s25  }
0xa8: {  	s7 =	sshll.u32 s26, $0x1;
	_ =	strace $0x80000046;
	[dreg:$0x1] =	wrdreg $0xFFFFFFFF  }
0xa9: {  	s28 =	simm.s32 $_size_execute0_lowered;
	s5 =	sadd.s32 s5, s7;
	[dreg:$0x0] =	wrdreg $0x0  }
0xaa: {  	s7 =	sshll.u32 s28, $0x1;
	[dreg:$0x2] =	wrdreg s5  }
0xab: {  	[dreg:$0x3] =	wrdreg s7  }
0xac: {  	[dreg:$0x4] =	wrdreg $0xC0  }
0xad: {  	_ =	task [dreg:s9], $0x5FFFF  }
0xae: {  	[dreg:$0x1] =	wrdreg $0xFFFFFFFF  }
0xaf: {  	[dreg:$0x0] =	wrdreg $0x60  }
0xb0: {  	[dreg:$0x2] =	wrdreg s24  }
0xb1: {  	[dreg:$0x3] =	wrdreg s2  }
0xb2: {  	[dreg:$0x4] =	wrdreg s18  }
0xb3: {  	[dreg:$0x5] =	wrdreg s4  }
0xb4: {  	[dreg:$0x6] =	wrdreg $0x9  }
0xb5: {  	_ =	task.clear_ibuf [dreg:s9], $0x7FFFF;
	_ =	strace $0x90000046  }
0xb6: {  	s29 =	simm.s32 $0x9;
	_ =	strace $0x80000048  }
0xb7: {  	_ =	swait.ge [sflag:s29], $0x1  }
0xb8: {  	[sflag:s29] =	ssyncadd.s32 $0xFFFFFFFF  }
0xb9: {  	_ =	strace $0x90000048  }
0xba: {  	_ =	sfence  }
0xbb: {  	s30 =	sld [smem:$0x0];
	_ =	sdelay $0x2  }
0xbc: {  	s31 =	sshll.u32 s1, $0xD;
	s1 =	sshrl.u32 s1, $0x2  }
0xbd: {  	s3 =	sand.u32 $0x4000, s31;
	s1 =	sadd.s32 s1, s30  }
0xbe: {  	s0 =	sor.u32 s3, s0;
	s1 =	sshll.u32 s1, $0x11  }
0xbf: {  	s0 =	sor.u32 s1, s0  }
0xc0: {  	s0 =	sadd.s32 $0x8F2B, s0  }
0xc1: {  	[sflag:s0] =	ssyncadd.remote.s32 $0x1  }
0xc2: {  	_ =	sfence.sel $0xFFFF  }
0xc3: {  	[dreg:$0x0] =	wrdreg $0xFFFFFFFF;
	(pc) =	sbr.abs _section_cstart, $3  }
0xc4: {  	[dreg:$0x1] =	wrdreg $0xFFFFFFFF  }
0xc5: {  	_ =	task.clear_ibuf [dreg:s9], $0x2FFFF;
	_ =	strace $0x9FFFFFFF  }
0xc6: {  	(tm) =	ssettm $0x7FFFFFFF  }
0xc7: {  	_ =	shalt  }
tec
execute0_lowered:
.L_overlay_start_1:
0x0: {  	(tag) =	ssettag $0x1  }
0x1: {  	s0 =	rddreg [dreg:$0x0]  }
0x2: {  	s1 =	rddreg [dreg:$0x1]  }
0x3: {  	s2 =	rddreg [dreg:$0x2]  }
0x4: {  	s4 =	rddreg [dreg:$0x3];
	s5 =	srdreg.scid  }
0x5: {  	s3 =	simm.s32 $0x0;
	s6 =	stileid.u32;
	s28 =	simm.s32 $0x4  }
0x6: {  	s5 =	sand.u32 $0x1, s5;
	[smem:$0x7FF] =	sst s3;
	s6 =	sshll.u32 s6, $0x4  }
0x7: {  	s0 =	sadd.s32 $0x400, s0;
	s7 =	sshll.u32 s5, $0x3;
	s5 =	ssub.s32 $0x2, s5  }
0x8: {  	_ =	strace $0x80000047;
	s6 =	sor.u32 s7, s6;
	s13 =	sshrl.u32 s5, $0x1  }
0x9: {  	s10 =	sor.u32 $0x100, s6;
	s5 =	ssub.s32 s5, s13;
	s14 =	sadd.s32 s0, s6  }
0xa: {  	s16 =	sor.u32 $0x200, s6;
	[dreg:$0x5] =	wrdreg s14;
	s15 =	sadd.s32 s0, s10  }
0xb: {  	s11 =	sor.u32 $0x300, s6;
	s8 =	sadd.s32 s0, s16;
	[dreg:$0x6] =	wrdreg s15  }
0xc: {  	s12 =	smul.u32 $0x300, s6;
	s0 =	sadd.s32 s0, s11;
	[dreg:$0x7] =	wrdreg s8  }
0xd: {  	s31 =	simm.s32 $0x5;
	s30 =	smax.u32 s5, $0x1;
	[dreg:$0x8] =	wrdreg s0  }
0xe: {  	s18 =	smul.u32 $0x300, s10;
	s2 =	sadd.s32 s2, s12;
	[dreg:$0x12] =	wrdreg s30  }
0xf: {  	s9 =	sadd.s32 $0x200, s1;
	s20 =	sadd.s32 s4, s12;
	[dreg:$0x9] =	wrdreg s2  }
0x10: {  	s19 =	smul.u32 $0x300, s16;
	s22 =	sadd.s32 s4, s18;
	[dreg:$0xa] =	wrdreg s20  }
0x11: {  	s17 =	smul.u32 $0x1800, s6;
	s23 =	sadd.s32 $0x30C00, s20;
	[dreg:$0xc] =	wrdreg s22  }
0x12: {  	s21 =	smul.u32 $0x300, s11;
	s24 =	sadd.s32 s4, s19;
	[dreg:$0xd] =	wrdreg s23  }
0x13: {  	s8 =	sadd.s32 $0x100, s1;
	s25 =	sadd.s32 $0x60C00, s20;
	[dreg:$0xe] =	wrdreg s24  }
0x14: {  	s0 =	sshrl.u32 s17, $0x3;
	s26 =	sadd.s32 s4, s21;
	[dreg:$0xf] =	wrdreg s25  }
0x15: {  	v2 =	vlaneseq.u32;
	s0 =	sadd.s32 s4, s0;
	s29 =	sadd.s32 $0x90C00, s20;
	[dreg:$0x10] =	wrdreg s26  }
0x16: {  	vm0 =	vmmov $0xffff;
	v1 =	vshrl.u32 v2, $0x3;
	s19 =	simm.s32 $0x12100;
	s0 =	sadd.s32 $0xC00, s0;
	[dreg:$0x11] =	wrdreg s29  }
0x17: {  	v0 =	vand.u32 $0x7, v2;
	v2 =	vor.u32 $0x8, v2;
	v1 =	vmul.u32 $0x8, v1;
	s20 =	simm.s32 $0x0;
	s26 =	simm.s32 $0x2;
	[dreg:$0xb] =	wrdreg s0  }
.LBB2_1:
0x18: {  	s0 =	rddreg [dreg:$0x5]  }
0x19: {  	[tilespmem:s3], [sflag:$0x8] =	stream.linear.gather [hbm4b:s0+s3], $0x40, $0x38;
	[tilespmem:$0x1E100] =	vst v63  }
0x1a: {  	s23 =	rddreg [dreg:$0x6];
	s2 =	simm.s32 $0x40  }
0x1b: {  	[tilespmem:s2], [sflag:$0x9] =	stream.linear.gather [hbm4b:s23+s3], $0x40, $0x38;
	[tilespmem:$0x1E100] =	vst v63  }
0x1c: {  	s24 =	rddreg [dreg:$0x7];
	s25 =	simm.s32 $0x80  }
0x1d: {  	[tilespmem:s25], [sflag:$0xA] =	stream.linear.gather [hbm4b:s24+s3], $0x40, $0x38;
	[tilespmem:$0x1E100] =	vst v63  }
0x1e: {  	s29 =	rddreg [dreg:$0x8];
	s30 =	simm.s32 $0xC0;
	s2 =	simm.s32 $0x8  }
0x1f: {  	[tilespmem:s30], [sflag:$0xB] =	stream.linear.gather [hbm4b:s29+s3], $0x40, $0x38;
	[tilespmem:$0x1E100] =	vst v63  }
0x20: {  	_ =	swait.ge [sflag:s2], $0x40  }
0x21: {  	[sflag:s2] =	ssyncset.done $0x0  }
0x22: {  	[sflag:s2] =	ssyncadd.s32 $0xFFFFFFC0  }
0x23: {  	v3 =	vld [tilespmem:$0x0];
	_ =	sdelay $0x4  }
0x24: {  	v4 =	vshrl.u32 v3, $0x3  }
0x25: {  	v4 =	vmul.u32 $0x30, v4  }
0x26: {  	v3 =	vand.u32 $0x7, v3  }
0x27: {  	v3 =	vor.u32 v3, v4  }
0x28: {  	v4 =	vperm.xlane v3, v0;
	_ =	sdelay $0x1  }
0x29: {  	v4 =	vadd.s32 v1, v4;
	_ =	sdelay $0x3  }
0x2a: {  	s4 =	simm.s32 $0xC100;
	v3 =	vperm.xlane v3, v2  }
0x2b: {  	[tilespmem:s4], [sflag:$0x1] =	stream.indirect_vreg.gather [hbm4b:s1+s3], $0x80, v4, vm0, $0xb8;
	[tilespmem:$0x1E100] =	vst v63  }
0x2c: {  	s5 =	simm.s32 $0xC900;
	v3 =	vadd.s32 v1, v3  }
0x2d: {  	[tilespmem:s5], [sflag:$0x1] =	stream.indirect_vreg.gather [hbm4b:s8+s3], $0x80, v4, vm0, $0xb8;
	[tilespmem:$0x1E100] =	vst v63  }
0x2e: {  	s6 =	simm.s32 $0xD100  }
0x2f: {  	[tilespmem:s6], [sflag:$0x1] =	stream.indirect_vreg.gather [hbm4b:s9+s3], $0x80, v4, vm0, $0xb8;
	[tilespmem:$0x1E100] =	vst v63  }
0x30: {  	s7 =	simm.s32 $0xD900  }
0x31: {  	[tilespmem:s7], [sflag:$0x1] =	stream.indirect_vreg.gather [hbm4b:s1+s3], $0x80, v3, vm0, $0xb8;
	[tilespmem:$0x1E100] =	vst v63  }
0x32: {  	s10 =	simm.s32 $0xE100  }
0x33: {  	[tilespmem:s10], [sflag:$0x1] =	stream.indirect_vreg.gather [hbm4b:s8+s3], $0x80, v3, vm0, $0xb8;
	[tilespmem:$0x1E100] =	vst v63  }
0x34: {  	s11 =	simm.s32 $0xE900  }
0x35: {  	[tilespmem:s11], [sflag:$0x1] =	stream.indirect_vreg.gather [hbm4b:s9+s3], $0x80, v3, vm0, $0xb8;
	[tilespmem:$0x1E100] =	vst v63  }
0x36: {  	v3 =	vld [tilespmem:$0x10];
	_ =	sdelay $0x4  }
0x37: {  	v4 =	vshrl.u32 v3, $0x3  }
0x38: {  	v4 =	vmul.u32 $0x30, v4  }
0x39: {  	v3 =	vand.u32 $0x7, v3  }
0x3a: {  	v3 =	vor.u32 v3, v4  }
0x3b: {  	v4 =	vperm.xlane v3, v0;
	_ =	sdelay $0x1  }
0x3c: {  	v4 =	vadd.s32 v1, v4;
	_ =	sdelay $0x3  }
0x3d: {  	s12 =	simm.s32 $0xF100;
	v3 =	vperm.xlane v3, v2  }
0x3e: {  	[tilespmem:s12], [sflag:$0x1] =	stream.indirect_vreg.gather [hbm4b:s1+s3], $0x80, v4, vm0, $0xb8;
	[tilespmem:$0x1E100] =	vst v63  }
0x3f: {  	s13 =	simm.s32 $0xF900;
	v3 =	vadd.s32 v1, v3  }
0x40: {  	[tilespmem:s13], [sflag:$0x1] =	stream.indirect_vreg.gather [hbm4b:s8+s3], $0x80, v4, vm0, $0xb8;
	[tilespmem:$0x1E100] =	vst v63  }
0x41: {  	s14 =	simm.s32 $0x10100  }
0x42: {  	[tilespmem:s14], [sflag:$0x1] =	stream.indirect_vreg.gather [hbm4b:s9+s3], $0x80, v4, vm0, $0xb8;
	[tilespmem:$0x1E100] =	vst v63  }
0x43: {  	s15 =	simm.s32 $0x10900  }
0x44: {  	[tilespmem:s15], [sflag:$0x1] =	stream.indirect_vreg.gather [hbm4b:s1+s3], $0x80, v3, vm0, $0xb8;
	[tilespmem:$0x1E100] =	vst v63  }
0x45: {  	s16 =	simm.s32 $0x11100  }
0x46: {  	[tilespmem:s16], [sflag:$0x1] =	stream.indirect_vreg.gather [hbm4b:s8+s3], $0x80, v3, vm0, $0xb8;
	[tilespmem:$0x1E100] =	vst v63  }
0x47: {  	s17 =	simm.s32 $0x11900  }
0x48: {  	[tilespmem:s17], [sflag:$0x1] =	stream.indirect_vreg.gather [hbm4b:s9+s3], $0x80, v3, vm0, $0xb8;
	[tilespmem:$0x1E100] =	vst v63  }
0x49: {  	s21 =	simm.s32 $0x100;
	s18 =	rddreg [dreg:$0x9]  }
0x4a: {  	[tilespmem:s21], [sflag:$0x7] =	stream.linear.gather [hbm4b:s18+s3], $0xC000, $0x38;
	[tilespmem:$0x1E100] =	vst v63  }
0x4b: {  	v3 =	vld [tilespmem:$0x20];
	_ =	sdelay $0x4  }
0x4c: {  	v4 =	vshrl.u32 v3, $0x3  }
0x4d: {  	v4 =	vmul.u32 $0x30, v4  }
0x4e: {  	v3 =	vand.u32 $0x7, v3  }
0x4f: {  	v3 =	vor.u32 v3, v4  }
0x50: {  	v4 =	vperm.xlane v3, v0;
	_ =	sdelay $0x1  }
0x51: {  	v4 =	vadd.s32 v1, v4;
	_ =	sdelay $0x3  }
0x52: {  	v3 =	vperm.xlane v3, v2  }
0x53: {  	[tilespmem:s19], [sflag:$0x2] =	stream.indirect_vreg.gather [hbm4b:s1+s3], $0x80, v4, vm0, $0xb8;
	[tilespmem:$0x1E100] =	vst v63  }
0x54: {  	s22 =	simm.s32 $0x12900;
	v3 =	vadd.s32 v1, v3  }
0x55: {  	[tilespmem:s22], [sflag:$0x2] =	stream.indirect_vreg.gather [hbm4b:s8+s3], $0x80, v4, vm0, $0xb8;
	[tilespmem:$0x1E100] =	vst v63  }
0x56: {  	s23 =	simm.s32 $0x13100  }
0x57: {  	[tilespmem:s23], [sflag:$0x2] =	stream.indirect_vreg.gather [hbm4b:s9+s3], $0x80, v4, vm0, $0xb8;
	[tilespmem:$0x1E100] =	vst v63  }
0x58: {  	s24 =	simm.s32 $0x13900  }
0x59: {  	[tilespmem:s24], [sflag:$0x2] =	stream.indirect_vreg.gather [hbm4b:s1+s3], $0x80, v3, vm0, $0xb8;
	[tilespmem:$0x1E100] =	vst v63  }
0x5a: {  	s25 =	simm.s32 $0x14100  }
0x5b: {  	[tilespmem:s25], [sflag:$0x2] =	stream.indirect_vreg.gather [hbm4b:s8+s3], $0x80, v3, vm0, $0xb8;
	[tilespmem:$0x1E100] =	vst v63  }
0x5c: {  	s29 =	simm.s32 $0x14900  }
0x5d: {  	[tilespmem:s29], [sflag:$0x2] =	stream.indirect_vreg.gather [hbm4b:s9+s3], $0x80, v3, vm0, $0xb8;
	[tilespmem:$0x1E100] =	vst v63  }
0x5e: {  	v3 =	vld [tilespmem:$0x30];
	_ =	sdelay $0x4  }
0x5f: {  	v4 =	vshrl.u32 v3, $0x3  }
0x60: {  	v4 =	vmul.u32 $0x30, v4  }
0x61: {  	v3 =	vand.u32 $0x7, v3  }
0x62: {  	v3 =	vor.u32 v3, v4  }
0x63: {  	v4 =	vperm.xlane v3, v0  }
0x64: {  	s21 =	simm.s32 $0x0  }
0x65: {  	s30 =	simm.s32 $0x15100;
	s15 =	sor.u32 $0x6, s21;
	v4 =	vadd.s32 v1, v4  }
0x66: {  	s2 =	simm.s32 $0x15900;
	s4 =	simm.s32 $0x16100;
	s17 =	sand.u32 $0xFFFF, s15  }
0x67: {  	s5 =	simm.s32 $0x16900;
	s6 =	simm.s32 $0x17100;
	s17 =	smul.u32 $0xAAAB, s17  }
0x68: {  	s7 =	simm.s32 $0x17900;
	s10 =	simm.s32 $0x1;
	s14 =	sor.u32 $0x5, s21  }
0x69: {  	s11 =	simm.s32 $0x7;
	s17 =	sshrl.u32 s17, $0x11;
	s22 =	sand.u32 $0xFFFF, s14;
	v3 =	vperm.xlane v3, v2  }
0x6a: {  	[tilespmem:s30], [sflag:$0x2] =	stream.indirect_vreg.gather [hbm4b:s1+s3], $0x80, v4, vm0, $0xb8;
	[tilespmem:$0x1E100] =	vst v63  }
0x6b: {  	s12 =	sor.u32 $0x4, s21;
	s17 =	sand.u32 $0x30, s17;
	s22 =	smul.u32 $0xAAAB, s22;
	v3 =	vadd.s32 v1, v3  }
0x6c: {  	[tilespmem:s2], [sflag:$0x2] =	stream.indirect_vreg.gather [hbm4b:s8+s3], $0x80, v4, vm0, $0xb8;
	[tilespmem:$0x1E100] =	vst v63  }
0x6d: {  	s16 =	smul.u32 $0xAAAB, s21;
	s15 =	sadd.s32 s17, s15;
	s22 =	sshrl.u32 s22, $0x11  }
0x6e: {  	[tilespmem:s4], [sflag:$0x2] =	stream.indirect_vreg.gather [hbm4b:s9+s3], $0x80, v4, vm0, $0xb8;
	[tilespmem:$0x1E100] =	vst v63  }
0x6f: {  	s15 =	sshll.u32 s15, $0x7;
	s22 =	sand.u32 $0x30, s22;
	s29 =	sor.u32 $0x7, s21  }
0x70: {  	[tilespmem:s5], [sflag:$0x2] =	stream.indirect_vreg.gather [hbm4b:s1+s3], $0x80, v3, vm0, $0xb8;
	[tilespmem:$0x1E100] =	vst v63  }
0x71: {  	s15 =	sand.u32 $0x1C00, s15;
	s14 =	sadd.s32 s22, s14;
	s30 =	sand.u32 $0xFFFF, s29  }
0x72: {  	[tilespmem:s6], [sflag:$0x2] =	stream.indirect_vreg.gather [hbm4b:s8+s3], $0x80, v3, vm0, $0xb8;
	[tilespmem:$0x1E100] =	vst v63  }
0x73: {  	s25 =	sand.u32 $0xFFFF, s12;
	s18 =	smul.u32 $0xAAAB, s30;
	s2 =	sshrl.u32 s16, $0x15  }
0x74: {  	[tilespmem:s7], [sflag:$0x2] =	stream.indirect_vreg.gather [hbm4b:s9+s3], $0x80, v3, vm0, $0xb8;
	[tilespmem:$0x1E100] =	vst v63  }
0x75: {  	s4 =	sshrl.u32 s16, $0x18;
	s7 =	sor.u32 $0x2, s21;
	_ =	swait.ge [sflag:s10], $0x6000  }
0x76: {  	s5 =	sor.u32 $0x3, s21;
	s13 =	sand.u32 $0xFFFF, s7;
	[sflag:s10] =	ssyncset.done $0x0  }
0x77: {  	s13 =	smul.u32 $0xAAAB, s13;
	[sflag:s10] =	ssyncadd.s32 $0xFFFFA000;
	s10 =	sand.u32 $0xFFFF, s5  }
0x78: {  	s16 =	sshrl.u32 s16, $0xE;
	s6 =	sor.u32 $0x1, s21;
	s10 =	smul.u32 $0xAAAB, s10  }
0x79: {  	s22 =	sand.u32 $0x380, s16;
	s24 =	sand.u32 $0xFFFF, s6;
	_ =	swait.ge [sflag:s11], $0xC000  }
0x7a: {  	s13 =	sshrl.u32 s13, $0x11;
	[sflag:s11] =	ssyncset.done $0x0;
	s10 =	sshrl.u32 s10, $0x11  }
0x7b: {  	s23 =	sand.u32 $0x30, s13;
	s13 =	smul.u32 $0xAAAB, s24;
	s10 =	sand.u32 $0x30, s10  }
0x7c: {  	s7 =	sadd.s32 s23, s7;
	s5 =	sadd.s32 s10, s5;
	s10 =	smul.u32 $0xAAAB, s25  }
0x7d: {  	[sflag:s11] =	ssyncadd.s32 $0xFFFF4000;
	s11 =	sshrl.u32 s18, $0x11;
	s13 =	sshrl.u32 s13, $0x11  }
0x7e: {  	s16 =	sand.u32 $0x30, s11;
	s7 =	sshll.u32 s7, $0x7;
	s10 =	sshrl.u32 s10, $0x11  }
0x7f: {  	s13 =	sand.u32 $0x30, s13;
	s16 =	sadd.s32 s16, s29;
	s10 =	sand.u32 $0x30, s10  }
0x80: {  	s7 =	sand.u32 $0x1C00, s7;
	s10 =	sadd.s32 s10, s12;
	s12 =	smul.u32 $0x1800, s4  }
0x81: {  	s25 =	sshll.u32 s14, $0x7;
	s6 =	sadd.s32 s13, s6;
	s13 =	smul.u32 $0x30, s2  }
0x82: {  	s5 =	sshll.u32 s5, $0x7;
	s24 =	sshll.u32 s16, $0x7;
	s15 =	sadd.s32 s15, s12  }
0x83: {  	s6 =	sshll.u32 s6, $0x7;
	s13 =	ssub.s32 $0x0, s13;
	s15 =	sor.u32 s22, s15  }
0x84: {  	s5 =	sand.u32 $0x1C00, s5;
	s6 =	sand.u32 $0x1C00, s6;
	s13 =	sshll.u32 s13, $0x7;
	v3 =	vld [tilespmem:s15+$0x160]  }
0x85: {  	s18 =	sand.u32 $0xFF80, s13;
	s10 =	sshll.u32 s10, $0x7;
	s7 =	sadd.s32 s7, s12  }
0x86: {  	s23 =	sadd.s32 s6, s12;
	s5 =	sadd.s32 s5, s12;
	s6 =	sor.u32 s22, s7  }
0x87: {  	s10 =	sand.u32 $0x1C00, s10;
	s7 =	sand.u32 $0x1C00, s24;
	s13 =	sor.u32 s22, s5;
	v5 =	vld [tilespmem:s6+$0x120]  }
0x88: {  	s29 =	sadd.s32 s18, s12;
	s5 =	sand.u32 $0x1C00, s25;
	s7 =	sadd.s32 s7, s12;
	v4 =	vld [tilespmem:s13+$0x130]  }
0x89: {  	s30 =	sadd.s32 s5, s12;
	s5 =	sadd.s32 s10, s12;
	s12 =	sor.u32 s22, s7;
	[tilespmem:s15+$0xC160] =	vst.add.f32.msk $0xffff, v3  }
0x8a: {  	s17 =	sor.u32 s22, s29;
	s16 =	sor.u32 s22, s23;
	s14 =	sor.u32 s22, s30;
	v3 =	vld [tilespmem:s12+$0x170]  }
.LBB2_2:
0x8b: {  	s21 =	sadd.s32 $0x8, s21;
	v6 =	vld [tilespmem:s16+$0x110];
	s18 =	sor.u32 s22, s5  }
0x8c: {  	s5 =	sor.u32 $0x1, s21;
	s11 =	sor.u32 $0x2, s21;
	s22 =	sor.u32 $0x3, s21;
	v7 =	vld [tilespmem:s17+$0x100]  }
0x8d: {  	s7 =	sor.u32 $0x4, s21;
	s10 =	sor.u32 $0x5, s21;
	s15 =	sor.u32 $0x6, s21;
	[tilespmem:s6+$0xC120] =	vst.add.f32.msk $0xffff, v5  }
0x8e: {  	s23 =	smul.u32 $0xAAAB, s21;
	s30 =	sand.u32 $0xFFFF, s15;
	s6 =	sor.u32 $0x7, s21;
	v5 =	vld [tilespmem:s18+$0x140]  }
0x8f: {  	s0 =	sand.u32 $0xFFFF, s5;
	s2 =	sand.u32 $0xFFFF, s22;
	s25 =	sand.u32 $0xFFFF, s10;
	v8 =	vld [tilespmem:s14+$0x150]  }
0x90: {  	s4 =	sand.u32 $0xFFFF, s11;
	s24 =	sshrl.u32 s23, $0x18;
	s2 =	smul.u32 $0xAAAB, s2;
	[tilespmem:s13+$0xC130] =	vst.add.f32.msk $0xffff, v4  }
0x91: {  	s30 =	smul.u32 $0xAAAB, s30;
	s29 =	sand.u32 $0xFFFF, s6;
	s13 =	sshrl.u32 s23, $0x15;
	[tilespmem:s17+$0xC100] =	vst.add.f32.msk $0xffff, v7  }
0x92: {  	s29 =	smul.u32 $0xAAAB, s29;
	s2 =	sshrl.u32 s2, $0x11;
	s17 =	sand.u32 $0xFFFF, s7;
	[tilespmem:s16+$0xC110] =	vst.add.f32.msk $0xffff, v6  }
0x93: {  	s13 =	smul.u32 $0x30, s13;
	s2 =	sand.u32 $0x30, s2;
	s16 =	sshrl.u32 s23, $0xE;
	[tilespmem:s12+$0xC170] =	vst.add.f32.msk $0xffff, v3  }
0x94: {  	p0 =	slt.u32 s21, $0x5F8;
	s4 =	smul.u32 $0xAAAB, s4;
	s2 =	sadd.s32 s2, s22;
	[tilespmem:s14+$0xC150] =	vst.add.f32.msk $0xffff, v8  }
0x95: {  	s12 =	ssub.s32 s21, s13;
	s2 =	sshll.u32 s2, $0x7;
	s13 =	smul.u32 $0xAAAB, s25;
	[tilespmem:s18+$0xC140] =	vst.add.f32.msk $0xffff, v5  }
0x96: {  	s22 =	sand.u32 $0x380, s16;
	s12 =	sshll.u32 s12, $0x7;
	s14 =	sshrl.u32 s30, $0x11  }
0x97: {  	s4 =	sshrl.u32 s4, $0x11;
	s16 =	smul.u32 $0xAAAB, s17;
	s13 =	sshrl.u32 s13, $0x11  }
0x98: {  	s0 =	smul.u32 $0xAAAB, s0;
	s4 =	sand.u32 $0x30, s4;
	s12 =	sand.u32 $0xFF80, s12  }
0x99: {  	s4 =	sadd.s32 s4, s11;
	s2 =	sand.u32 $0x1C00, s2;
	s11 =	sand.u32 $0x30, s13  }
0x9a: {  	s4 =	sshll.u32 s4, $0x7;
	s18 =	smul.u32 $0x1800, s24;
	s13 =	sand.u32 $0x30, s14  }
0x9b: {  	s4 =	sand.u32 $0x1C00, s4;
	s14 =	sshrl.u32 s29, $0x11;
	s13 =	sadd.s32 s13, s15  }
0x9c: {  	s4 =	sadd.s32 s4, s18;
	s15 =	sshrl.u32 s16, $0x11;
	s13 =	sshll.u32 s13, $0x7  }
0x9d: {  	s0 =	sshrl.u32 s0, $0x11;
	s10 =	sadd.s32 s11, s10;
	s11 =	sand.u32 $0x30, s14  }
0x9e: {  	s0 =	sand.u32 $0x30, s0;
	s14 =	sand.u32 $0x30, s15;
	s13 =	sand.u32 $0x1C00, s13  }
0x9f: {  	s0 =	sadd.s32 s0, s5;
	s5 =	sadd.s32 s14, s7;
	s7 =	sadd.s32 s13, s18  }
0xa0: {  	s0 =	sshll.u32 s0, $0x7;
	s5 =	sshll.u32 s5, $0x7;
	s7 =	sor.u32 s22, s7  }
0xa1: {  	s0 =	sand.u32 $0x1C00, s0;
	s11 =	sadd.s32 s11, s6;
	s5 =	sand.u32 $0x1C00, s5;
	v3 =	vld [tilespmem:s7+$0x160]  }
0xa2: {  	s0 =	sadd.s32 s0, s18;
	s6 =	sor.u32 s22, s4;
	s4 =	sshll.u32 s11, $0x7  }
.Ltmp0:
0xa3: {  	s2 =	sadd.s32 s2, s18;
	s4 =	sand.u32 $0x1C00, s4;
	v5 =	vld [tilespmem:s6+$0x120];
	(pc) =	sbr.rel @p0 .LBB2_2-.Ltmp0, $4  }
0xa4: {  	s13 =	sor.u32 s22, s2;
	s2 =	sshll.u32 s10, $0x7;
	s4 =	sadd.s32 s4, s18  }
0xa5: {  	s10 =	sadd.s32 s12, s18;
	s2 =	sand.u32 $0x1C00, s2;
	s12 =	sor.u32 s22, s4;
	v4 =	vld [tilespmem:s13+$0x130]  }
0xa6: {  	s16 =	sor.u32 s22, s0;
	s17 =	sor.u32 s22, s10;
	s0 =	sadd.s32 s2, s18;
	[tilespmem:s7+$0xC160] =	vst.add.f32.msk $0xffff, v3  }
0xa7: {  	s5 =	sadd.s32 s5, s18;
	s14 =	sor.u32 s22, s0;
	v3 =	vld [tilespmem:s12+$0x170]  }
0xa8: {  	v6 =	vld [tilespmem:s16+$0x110]  }
0xa9: {  	v7 =	vld [tilespmem:s17+$0x100]  }
0xaa: {  	[tilespmem:s6+$0xC120] =	vst.add.f32.msk $0xffff, v5  }
0xab: {  	s0 =	sor.u32 s22, s5;
	v8 =	vld [tilespmem:s14+$0x150]  }
0xac: {  	v5 =	vld [tilespmem:s0+$0x140]  }
0xad: {  	[tilespmem:s13+$0xC130] =	vst.add.f32.msk $0xffff, v4  }
0xae: {  	[tilespmem:s12+$0xC170] =	vst.add.f32.msk $0xffff, v3  }
0xaf: {  	[tilespmem:s17+$0xC100] =	vst.add.f32.msk $0xffff, v7  }
0xb0: {  	[tilespmem:s16+$0xC110] =	vst.add.f32.msk $0xffff, v6  }
0xb1: {  	[tilespmem:s14+$0xC150] =	vst.add.f32.msk $0xffff, v8  }
0xb2: {  	[tilespmem:s0+$0xC140] =	vst.add.f32.msk $0xffff, v5  }
0xb3: {  	s2 =	simm.s32 $0xC100;
	s23 =	simm.s32 $0x9;
	s0 =	rddreg [dreg:$0xa]  }
0xb4: {  	[hbm4b:s0+s3] =	stream.linear.scatter [tilespmem:s2], [sflag:$0x4], $0x6000, $0x38;
	[tilespmem:$0x1E100] =	vst v63  }
0xb5: {  	_ =	swait.ge [sflag:s23], $0x40  }
0xb6: {  	[sflag:s23] =	ssyncset.done $0x0  }
0xb7: {  	[sflag:s23] =	ssyncadd.s32 $0xFFFFFFC0  }
0xb8: {  	v3 =	vld [tilespmem:$0x40];
	_ =	sdelay $0x4  }
0xb9: {  	v4 =	vshrl.u32 v3, $0x3  }
0xba: {  	v4 =	vmul.u32 $0x30, v4  }
0xbb: {  	v3 =	vand.u32 $0x7, v3  }
0xbc: {  	v3 =	vor.u32 v3, v4  }
0xbd: {  	v4 =	vperm.xlane v3, v0;
	_ =	sdelay $0x1  }
0xbe: {  	v4 =	vadd.s32 v1, v4;
	_ =	sdelay $0x3  }
0xbf: {  	s24 =	simm.s32 $0x18100;
	v3 =	vperm.xlane v3, v2  }
0xc0: {  	[tilespmem:s24], [sflag:$0x3] =	stream.indirect_vreg.gather [hbm4b:s1+s3], $0x80, v4, vm0, $0xb8;
	[tilespmem:$0x1E100] =	vst v63  }
0xc1: {  	s25 =	simm.s32 $0x18900;
	v3 =	vadd.s32 v1, v3  }
0xc2: {  	[tilespmem:s25], [sflag:$0x3] =	stream.indirect_vreg.gather [hbm4b:s8+s3], $0x80, v4, vm0, $0xb8;
	[tilespmem:$0x1E100] =	vst v63  }
0xc3: {  	s29 =	simm.s32 $0x19100  }
0xc4: {  	[tilespmem:s29], [sflag:$0x3] =	stream.indirect_vreg.gather [hbm4b:s9+s3], $0x80, v4, vm0, $0xb8;
	[tilespmem:$0x1E100] =	vst v63  }
0xc5: {  	s30 =	simm.s32 $0x19900  }
0xc6: {  	[tilespmem:s30], [sflag:$0x3] =	stream.indirect_vreg.gather [hbm4b:s1+s3], $0x80, v3, vm0, $0xb8;
	[tilespmem:$0x1E100] =	vst v63  }
0xc7: {  	s2 =	simm.s32 $0x1A100  }
0xc8: {  	[tilespmem:s2], [sflag:$0x3] =	stream.indirect_vreg.gather [hbm4b:s8+s3], $0x80, v3, vm0, $0xb8;
	[tilespmem:$0x1E100] =	vst v63  }
0xc9: {  	s4 =	simm.s32 $0x1A900  }
0xca: {  	[tilespmem:s4], [sflag:$0x3] =	stream.indirect_vreg.gather [hbm4b:s9+s3], $0x80, v3, vm0, $0xb8;
	[tilespmem:$0x1E100] =	vst v63  }
0xcb: {  	v3 =	vld [tilespmem:$0x50];
	_ =	sdelay $0x4  }
0xcc: {  	v4 =	vshrl.u32 v3, $0x3  }
0xcd: {  	v4 =	vmul.u32 $0x30, v4  }
0xce: {  	v3 =	vand.u32 $0x7, v3  }
0xcf: {  	s21 =	simm.s32 $0x0;
	v3 =	vor.u32 v3, v4  }
0xd0: {  	s16 =	sor.u32 $0x7, s21;
	v4 =	vperm.xlane v3, v0  }
0xd1: {  	s5 =	simm.s32 $0x1B100;
	s6 =	simm.s32 $0x1B900;
	s15 =	sand.u32 $0xFFFF, s16  }
0xd2: {  	s7 =	simm.s32 $0x1C100;
	s10 =	simm.s32 $0x1C900;
	s15 =	smul.u32 $0xAAAB, s15;
	v4 =	vadd.s32 v1, v4  }
0xd3: {  	s11 =	simm.s32 $0x1D100;
	s13 =	smul.u32 $0xAAAB, s21;
	s0 =	sor.u32 $0x1, s21  }
0xd4: {  	s12 =	simm.s32 $0x1D900;
	s17 =	sand.u32 $0xFFFF, s0;
	s15 =	sshrl.u32 s15, $0x11  }
0xd5: {  	s15 =	sand.u32 $0x30, s15;
	s24 =	sshrl.u32 s13, $0x15;
	s2 =	sor.u32 $0x2, s21  }
0xd6: {  	s24 =	smul.u32 $0x30, s24;
	s25 =	sshrl.u32 s13, $0x18;
	s29 =	sand.u32 $0xFFFF, s2;
	v3 =	vperm.xlane v3, v2  }
0xd7: {  	[tilespmem:s5], [sflag:$0x3] =	stream.indirect_vreg.gather [hbm4b:s1+s3], $0x80, v4, vm0, $0xb8;
	[tilespmem:$0x1E100] =	vst v63  }
0xd8: {  	s4 =	sor.u32 $0x3, s21;
	s22 =	smul.u32 $0xAAAB, s29;
	v3 =	vadd.s32 v1, v3;
	s5 =	sshrl.u32 s13, $0xE  }
0xd9: {  	[tilespmem:s6], [sflag:$0x3] =	stream.indirect_vreg.gather [hbm4b:s8+s3], $0x80, v4, vm0, $0xb8;
	[tilespmem:$0x1E100] =	vst v63  }
0xda: {  	s13 =	smul.u32 $0xAAAB, s17;
	s17 =	ssub.s32 $0x0, s24;
	s6 =	sor.u32 $0x4, s21  }
0xdb: {  	[tilespmem:s7], [sflag:$0x3] =	stream.indirect_vreg.gather [hbm4b:s9+s3], $0x80, v4, vm0, $0xb8;
	[tilespmem:$0x1E100] =	vst v63  }
0xdc: {  	s5 =	sand.u32 $0x380, s5;
	s13 =	sshrl.u32 s13, $0x11;
	s30 =	sand.u32 $0xFFFF, s6  }
0xdd: {  	[tilespmem:s10], [sflag:$0x3] =	stream.indirect_vreg.gather [hbm4b:s1+s3], $0x80, v3, vm0, $0xb8;
	[tilespmem:$0x1E100] =	vst v63  }
0xde: {  	s13 =	sand.u32 $0x30, s13;
	s7 =	sor.u32 $0x5, s21;
	s10 =	sand.u32 $0xFFFF, s4  }
0xdf: {  	s0 =	sadd.s32 s13, s0;
	s18 =	sand.u32 $0xFFFF, s7;
	s10 =	smul.u32 $0xAAAB, s10  }
0xe0: {  	[tilespmem:s11], [sflag:$0x3] =	stream.indirect_vreg.gather [hbm4b:s8+s3], $0x80, v3, vm0, $0xb8;
	[tilespmem:$0x1E100] =	vst v63  }
0xe1: {  	s0 =	sshll.u32 s0, $0x7;
	s18 =	smul.u32 $0xAAAB, s18;
	s11 =	sor.u32 $0x6, s21  }
0xe2: {  	s0 =	sand.u32 $0x1C00, s0;
	s23 =	sand.u32 $0xFFFF, s11;
	s10 =	sshrl.u32 s10, $0x11  }
0xe3: {  	[tilespmem:s12], [sflag:$0x3] =	stream.indirect_vreg.gather [hbm4b:s9+s3], $0x80, v3, vm0, $0xb8;
	[tilespmem:$0x1E100] =	vst v63  }
0xe4: {  	s29 =	sshrl.u32 s18, $0x11;
	s10 =	sand.u32 $0x30, s10;
	s14 =	smul.u32 $0xAAAB, s23  }
0xe5: {  	s12 =	sadd.s32 s15, s16;
	s23 =	smul.u32 $0x6000, s25;
	s25 =	sshrl.u32 s22, $0x11  }
0xe6: {  	s16 =	sand.u32 $0x30, s29;
	_ =	swait.ge [sflag:s26], $0x6000;
	s4 =	sadd.s32 s10, s4  }
0xe7: {  	s12 =	sshll.u32 s12, $0x7;
	s10 =	smul.u32 $0xAAAB, s30;
	s13 =	sand.u32 $0x30, s25  }
0xe8: {  	s7 =	sadd.s32 s16, s7;
	[sflag:s26] =	ssyncset.done $0x0;
	s4 =	sshll.u32 s4, $0x7  }
0xe9: {  	s14 =	sshrl.u32 s14, $0x11;
	s12 =	sand.u32 $0x1C00, s12;
	s2 =	sadd.s32 s13, s2  }
0xea: {  	s30 =	sadd.s32 $0x18000, s23;
	s7 =	sshll.u32 s7, $0x7;
	s18 =	sshrl.u32 s23, $0x2  }
0xeb: {  	[sflag:s26] =	ssyncadd.s32 $0xFFFFA000;
	s4 =	sand.u32 $0x1C00, s4;
	s14 =	sand.u32 $0x30, s14  }
0xec: {  	s10 =	sshrl.u32 s10, $0x11;
	s2 =	sshll.u32 s2, $0x7;
	s7 =	sand.u32 $0x1C00, s7  }
0xed: {  	s13 =	sshrl.u32 s30, $0x2;
	s11 =	sadd.s32 s14, s11;
	s10 =	sand.u32 $0x30, s10  }
0xee: {  	s2 =	sand.u32 $0x1C00, s2;
	s13 =	sor.u32 $0x100, s13;
	s14 =	sadd.s32 $0x12100, s18  }
0xef: {  	s11 =	sshll.u32 s11, $0x7;
	s6 =	sadd.s32 s10, s6;
	s10 =	sshll.u32 s17, $0x7  }
0xf0: {  	s15 =	sadd.s32 s12, s13;
	s22 =	sadd.s32 s2, s13;
	s23 =	sadd.s32 s0, s13  }
0xf1: {  	s0 =	sadd.s32 s0, s14;
	s2 =	sadd.s32 s2, s14;
	s24 =	sadd.s32 s7, s14  }
0xf2: {  	s7 =	sadd.s32 s7, s13;
	s29 =	sadd.s32 s12, s14;
	s16 =	sadd.s32 s5, s22  }
0xf3: {  	s6 =	sshll.u32 s6, $0x7;
	s10 =	sand.u32 $0xFF80, s10;
	s11 =	sand.u32 $0x1C00, s11;
	v3 =	vld [tilespmem:s16+$0x20]  }
0xf4: {  	s0 =	sadd.s32 s5, s0;
	s17 =	sadd.s32 s5, s23;
	s22 =	sadd.s32 s5, s24  }
0xf5: {  	s7 =	sadd.s32 s5, s7;
	s2 =	sadd.s32 s5, s2;
	s29 =	sadd.s32 s5, s29;
	v4 =	vld [tilespmem:s17+$0x10]  }
0xf6: {  	s6 =	sand.u32 $0x1C00, s6;
	s16 =	sadd.s32 s4, s14;
	s4 =	sadd.s32 s4, s13  }
0xf7: {  	s25 =	sadd.s32 s11, s13;
	v5 =	vld [tilespmem:s7+$0x50];
	s2 =	sor.u32 $0x20, s2;
	s17 =	sadd.s32 s10, s13  }
0xf8: {  	s11 =	sadd.s32 s11, s14;
	s10 =	sadd.s32 s10, s14;
	s30 =	sadd.s32 s5, s25;
	[tilespmem:s2+$0x0] =	vst.add.f32.msk $0xffff, v3  }
0xf9: {  	s24 =	sor.u32 $0x50, s22;
	s0 =	sor.u32 $0x10, s0;
	s7 =	sadd.s32 s5, s15;
	v3 =	vld [tilespmem:s30+$0x60]  }
0xfa: {  	s18 =	sadd.s32 s6, s13;
	s23 =	sadd.s32 s6, s14;
	s4 =	sadd.s32 s5, s4;
	[tilespmem:s0+$0x0] =	vst.add.f32.msk $0xffff, v4  }
0xfb: {  	s25 =	sadd.s32 s5, s16;
	s14 =	sadd.s32 s5, s10;
	s10 =	sor.u32 $0x70, s29;
	v4 =	vld [tilespmem:s4+$0x30]  }
0xfc: {  	s6 =	sadd.s32 s5, s18;
	s2 =	sadd.s32 s5, s17;
	s30 =	sadd.s32 s5, s11;
	[tilespmem:s24+$0x0] =	vst.add.f32.msk $0xffff, v5  }
0xfd: {  	s12 =	sor.u32 $0x30, s25;
	s5 =	sadd.s32 s5, s23;
	v5 =	vld [tilespmem:s2+$0x0];
	s15 =	sor.u32 $0x60, s30  }
.LBB2_4:
0xfe: {  	s21 =	sadd.s32 $0x8, s21  }
0xff: {  	v6 =	vld [tilespmem:s6+$0x40];
	s0 =	sor.u32 $0x40, s5;
	s13 =	sor.u32 $0x1, s21;
	s5 =	sor.u32 $0x2, s21  }
0x100: {  	s2 =	sor.u32 $0x3, s21;
	v7 =	vld [tilespmem:s7+$0x70];
	s6 =	sor.u32 $0x4, s21;
	s7 =	sor.u32 $0x5, s21  }
0x101: {  	s4 =	sor.u32 $0x6, s21;
	s11 =	smul.u32 $0xAAAB, s21;
	s16 =	sor.u32 $0x7, s21;
	[tilespmem:s12+$0x0] =	vst.add.f32.msk $0xffff, v4  }
0x102: {  	p0 =	slt.u32 s21, $0x5F8;
	s12 =	sand.u32 $0xFFFF, s2;
	s17 =	sand.u32 $0xFFFF, s4;
	[tilespmem:s15+$0x0] =	vst.add.f32.msk $0xffff, v3  }
0x103: {  	s18 =	sand.u32 $0xFFFF, s16;
	s24 =	sand.u32 $0xFFFF, s6;
	s15 =	sand.u32 $0xFFFF, s13;
	[tilespmem:s14+$0x0] =	vst.add.f32.msk $0xffff, v5  }
0x104: {  	s23 =	sshrl.u32 s11, $0x18;
	s12 =	smul.u32 $0xAAAB, s12;
	s14 =	sshrl.u32 s11, $0x15;
	[tilespmem:s0+$0x0] =	vst.add.f32.msk $0xffff, v6  }
0x105: {  	s18 =	smul.u32 $0xAAAB, s18;
	s0 =	sand.u32 $0xFFFF, s5;
	[tilespmem:s10+$0x0] =	vst.add.f32.msk $0xffff, v7;
	s10 =	sshrl.u32 s11, $0xE  }
0x106: {  	s11 =	sshrl.u32 s12, $0x11;
	s12 =	sand.u32 $0xFFFF, s7;
	s0 =	smul.u32 $0xAAAB, s0  }
0x107: {  	s22 =	sand.u32 $0x380, s10;
	s25 =	smul.u32 $0xAAAB, s12;
	s10 =	sshrl.u32 s18, $0x11  }
0x108: {  	s11 =	sand.u32 $0x30, s11;
	s12 =	smul.u32 $0xAAAB, s17;
	s10 =	sand.u32 $0x30, s10  }
0x109: {  	s2 =	sadd.s32 s11, s2;
	s11 =	smul.u32 $0xAAAB, s15;
	s10 =	sadd.s32 s10, s16  }
0x10a: {  	s15 =	smul.u32 $0xAAAB, s24;
	s2 =	sshll.u32 s2, $0x7;
	s10 =	sshll.u32 s10, $0x7  }
0x10b: {  	s0 =	sshrl.u32 s0, $0x11;
	s16 =	sshrl.u32 s12, $0x11;
	s10 =	sand.u32 $0x1C00, s10  }
0x10c: {  	s11 =	sshrl.u32 s11, $0x11;
	s12 =	sand.u32 $0x1C00, s2;
	s2 =	sand.u32 $0x30, s16  }
0x10d: {  	s16 =	smul.u32 $0x6000, s23;
	s11 =	sand.u32 $0x30, s11;
	s2 =	sadd.s32 s2, s4  }
0x10e: {  	s4 =	smul.u32 $0x30, s14;
	s11 =	sadd.s32 s11, s13;
	s13 =	sshrl.u32 s15, $0x11  }
0x10f: {  	s0 =	sand.u32 $0x30, s0;
	s11 =	sshll.u32 s11, $0x7;
	s13 =	sand.u32 $0x30, s13  }
0x110: {  	s0 =	sadd.s32 s0, s5;
	s14 =	sshrl.u32 s25, $0x11;
	s2 =	sshll.u32 s2, $0x7  }
0x111: {  	s0 =	sshll.u32 s0, $0x7;
	s15 =	sadd.s32 $0x18000, s16;
	s5 =	sand.u32 $0x30, s14  }
0x112: {  	s0 =	sand.u32 $0x1C00, s0;
	s5 =	sadd.s32 s5, s7;
	s6 =	sadd.s32 s13, s6  }
0x113: {  	s4 =	ssub.s32 s21, s4;
	s5 =	sshll.u32 s5, $0x7;
	s6 =	sshll.u32 s6, $0x7  }
0x114: {  	s7 =	sshrl.u32 s15, $0x2;
	s4 =	sshll.u32 s4, $0x7;
	s5 =	sand.u32 $0x1C00, s5  }
0x115: {  	s2 =	sand.u32 $0x1C00, s2;
	s13 =	sshrl.u32 s16, $0x2;
	s15 =	sand.u32 $0x1C00, s6  }
0x116: {  	s7 =	sor.u32 $0x100, s7;
	s4 =	sand.u32 $0xFF80, s4;
	s13 =	sadd.s32 $0x12100, s13  }
0x117: {  	s17 =	sadd.s32 s0, s7;
	s6 =	sand.u32 $0x1C00, s11;
	s11 =	sadd.s32 s10, s7  }
0x118: {  	s14 =	sadd.s32 s6, s7;
	s6 =	sadd.s32 s6, s13;
	s16 =	sadd.s32 s15, s7  }
0x119: {  	s0 =	sadd.s32 s0, s13;
	s17 =	sadd.s32 s22, s17;
	s6 =	sadd.s32 s22, s6  }
0x11a: {  	s18 =	sadd.s32 s12, s13;
	s23 =	sadd.s32 s5, s13;
	s5 =	sadd.s32 s5, s7  }
0x11b: {  	s10 =	sadd.s32 s10, s13;
	s14 =	sadd.s32 s22, s14;
	v3 =	vld [tilespmem:s17+$0x20];
	s17 =	sadd.s32 s22, s23  }
0x11c: {  	s23 =	sadd.s32 s2, s7;
	v4 =	vld [tilespmem:s14+$0x10];
	s14 =	sadd.s32 s12, s7;
	s17 =	sor.u32 $0x50, s17  }
0x11d: {  	s5 =	sadd.s32 s22, s5;
	s0 =	sadd.s32 s22, s0;
	s12 =	sadd.s32 s22, s18  }
0x11e: {  	s0 =	sor.u32 $0x20, s0;
	s12 =	sor.u32 $0x30, s12;
	v5 =	vld [tilespmem:s5+$0x50];
	s5 =	sadd.s32 s22, s10  }
0x11f: {  	s2 =	sadd.s32 s2, s13;
	s18 =	sor.u32 $0x10, s6;
	s10 =	sor.u32 $0x70, s5  }
0x120: {  	s6 =	sadd.s32 s22, s16;
	s5 =	sadd.s32 s22, s23;
	[tilespmem:s0+$0x0] =	vst.add.f32.msk $0xffff, v3;
	s0 =	sadd.s32 s22, s14  }
.Ltmp1:
0x121: {  	s14 =	sadd.s32 s4, s7;
	s7 =	sadd.s32 s22, s11;
	v3 =	vld [tilespmem:s5+$0x60];
	(pc) =	sbr.rel @p0 .LBB2_4-.Ltmp1, $4  }
0x122: {  	s2 =	sadd.s32 s22, s2;
	s4 =	sadd.s32 s4, s13;
	s11 =	sadd.s32 s22, s14;
	[tilespmem:s18+$0x0] =	vst.add.f32.msk $0xffff, v4  }
0x123: {  	s14 =	sadd.s32 s22, s4;
	v4 =	vld [tilespmem:s0+$0x30];
	s0 =	sadd.s32 s15, s13  }
0x124: {  	s5 =	sadd.s32 s22, s0;
	[tilespmem:s17+$0x0] =	vst.add.f32.msk $0xffff, v5  }
0x125: {  	s15 =	sor.u32 $0x60, s2;
	v5 =	vld [tilespmem:s11+$0x0]  }
0x126: {  	v6 =	vld [tilespmem:s6+$0x40]  }
0x127: {  	v7 =	vld [tilespmem:s7+$0x70]  }
0x128: {  	[tilespmem:s15+$0x0] =	vst.add.f32.msk $0xffff, v3  }
0x129: {  	[tilespmem:s12+$0x0] =	vst.add.f32.msk $0xffff, v4  }
0x12a: {  	s0 =	sor.u32 $0x40, s5;
	[tilespmem:s14+$0x0] =	vst.add.f32.msk $0xffff, v5  }
0x12b: {  	[tilespmem:s0+$0x0] =	vst.add.f32.msk $0xffff, v6  }
0x12c: {  	[tilespmem:s10+$0x0] =	vst.add.f32.msk $0xffff, v7  }
0x12d: {  	s0 =	rddreg [dreg:$0xb]  }
0x12e: {  	[hbm4b:s0+s3] =	stream.linear.scatter [tilespmem:s19], [sflag:$0x5], $0x6000, $0x38;
	[tilespmem:$0x1E100] =	vst v63  }
0x12f: {  	_ =	swait.ge [sflag:s28], $0x6000  }
0x130: {  	[sflag:s28] =	ssyncset.done $0x0  }
0x131: {  	[sflag:s28] =	ssyncadd.s32 $0xFFFFA000  }
0x132: {  	v3 =	vld [tilespmem:$0x60];
	_ =	sdelay $0x4  }
0x133: {  	v4 =	vshrl.u32 v3, $0x3  }
0x134: {  	v4 =	vmul.u32 $0x30, v4  }
0x135: {  	v3 =	vand.u32 $0x7, v3  }
0x136: {  	v3 =	vor.u32 v3, v4  }
0x137: {  	v4 =	vperm.xlane v3, v0;
	_ =	sdelay $0x1  }
0x138: {  	v4 =	vadd.s32 v1, v4;
	_ =	sdelay $0x3  }
0x139: {  	s30 =	simm.s32 $0xC100;
	v3 =	vperm.xlane v3, v2  }
0x13a: {  	[tilespmem:s30], [sflag:$0x1] =	stream.indirect_vreg.gather [hbm4b:s1+s3], $0x80, v4, vm0, $0xb8;
	[tilespmem:$0x1E100] =	vst v63  }
0x13b: {  	s2 =	simm.s32 $0xC900;
	v3 =	vadd.s32 v1, v3  }
0x13c: {  	[tilespmem:s2], [sflag:$0x1] =	stream.indirect_vreg.gather [hbm4b:s8+s3], $0x80, v4, vm0, $0xb8;
	[tilespmem:$0x1E100] =	vst v63  }
0x13d: {  	s4 =	simm.s32 $0xD100  }
0x13e: {  	[tilespmem:s4], [sflag:$0x1] =	stream.indirect_vreg.gather [hbm4b:s9+s3], $0x80, v4, vm0, $0xb8;
	[tilespmem:$0x1E100] =	vst v63  }
0x13f: {  	s5 =	simm.s32 $0xD900  }
0x140: {  	[tilespmem:s5], [sflag:$0x1] =	stream.indirect_vreg.gather [hbm4b:s1+s3], $0x80, v3, vm0, $0xb8;
	[tilespmem:$0x1E100] =	vst v63  }
0x141: {  	s6 =	simm.s32 $0xE100  }
0x142: {  	[tilespmem:s6], [sflag:$0x1] =	stream.indirect_vreg.gather [hbm4b:s8+s3], $0x80, v3, vm0, $0xb8;
	[tilespmem:$0x1E100] =	vst v63  }
0x143: {  	s7 =	simm.s32 $0xE900  }
0x144: {  	[tilespmem:s7], [sflag:$0x1] =	stream.indirect_vreg.gather [hbm4b:s9+s3], $0x80, v3, vm0, $0xb8;
	[tilespmem:$0x1E100] =	vst v63  }
0x145: {  	v3 =	vld [tilespmem:$0x70];
	_ =	sdelay $0x4  }
0x146: {  	v4 =	vshrl.u32 v3, $0x3  }
0x147: {  	s11 =	simm.s32 $0xF900;
	s21 =	simm.s32 $0x0;
	v4 =	vmul.u32 $0x30, v4  }
0x148: {  	s13 =	simm.s32 $0x10900;
	s15 =	simm.s32 $0x11900;
	s16 =	sor.u32 $0x3, s21;
	v3 =	vand.u32 $0x7, v3  }
0x149: {  	s18 =	sor.u32 $0x4, s21;
	s22 =	sor.u32 $0x5, s21;
	s17 =	sand.u32 $0xFFFF, s16;
	v3 =	vor.u32 v3, v4  }
0x14a: {  	s12 =	simm.s32 $0x10100;
	s23 =	sand.u32 $0xFFFF, s22;
	s5 =	smul.u32 $0xAAAB, s17;
	v4 =	vperm.xlane v3, v0  }
0x14b: {  	s29 =	sand.u32 $0xFFFF, s18;
	s14 =	simm.s32 $0x11100;
	s4 =	sor.u32 $0x2, s21  }
0x14c: {  	s10 =	simm.s32 $0xF100;
	s19 =	sand.u32 $0xFFFF, s4;
	s5 =	sshrl.u32 s5, $0x11;
	v4 =	vadd.s32 v1, v4  }
0x14d: {  	s30 =	sor.u32 $0x7, s21;
	s5 =	sand.u32 $0x30, s5;
	s7 =	smul.u32 $0xAAAB, s19  }
0x14e: {  	s2 =	sor.u32 $0x1, s21;
	s0 =	sadd.s32 s5, s16;
	s5 =	smul.u32 $0xAAAB, s29  }
0x14f: {  	s25 =	sand.u32 $0xFFFF, s2;
	s16 =	sand.u32 $0xFFFF, s30;
	s0 =	sshll.u32 s0, $0x7  }
0x150: {  	s7 =	sshrl.u32 s7, $0x11;
	s5 =	sshrl.u32 s5, $0x11;
	s0 =	sand.u32 $0x1C00, s0;
	v3 =	vperm.xlane v3, v2  }
0x151: {  	[tilespmem:s10], [sflag:$0x1] =	stream.indirect_vreg.gather [hbm4b:s1+s3], $0x80, v4, vm0, $0xb8;
	[tilespmem:$0x1E100] =	vst v63  }
0x152: {  	s24 =	sand.u32 $0x30, s7;
	s7 =	smul.u32 $0xAAAB, s25;
	s5 =	sand.u32 $0x30, s5;
	v3 =	vadd.s32 v1, v3  }
0x153: {  	[tilespmem:s11], [sflag:$0x1] =	stream.indirect_vreg.gather [hbm4b:s8+s3], $0x80, v4, vm0, $0xb8;
	[tilespmem:$0x1E100] =	vst v63  }
0x154: {  	s4 =	sadd.s32 s24, s4;
	s5 =	sadd.s32 s5, s18;
	s7 =	sshrl.u32 s7, $0x11  }
0x155: {  	[tilespmem:s12], [sflag:$0x1] =	stream.indirect_vreg.gather [hbm4b:s9+s3], $0x80, v4, vm0, $0xb8;
	[tilespmem:$0x1E100] =	vst v63  }
0x156: {  	s4 =	sshll.u32 s4, $0x7;
	s11 =	sor.u32 $0x6, s21;
	s12 =	smul.u32 $0xAAAB, s21  }
0x157: {  	[tilespmem:s13], [sflag:$0x1] =	stream.indirect_vreg.gather [hbm4b:s1+s3], $0x80, v3, vm0, $0xb8;
	[tilespmem:$0x1E100] =	vst v63  }
0x158: {  	s5 =	sshll.u32 s5, $0x7;
	s7 =	sand.u32 $0x30, s7;
	s13 =	sand.u32 $0xFFFF, s11  }
0x159: {  	s4 =	sand.u32 $0x1C00, s4;
	s17 =	sshrl.u32 s12, $0x15;
	s13 =	smul.u32 $0xAAAB, s13  }
0x15a: {  	s2 =	sadd.s32 s7, s2;
	s18 =	sshrl.u32 s12, $0x18;
	s7 =	smul.u32 $0x30, s17  }
0x15b: {  	s5 =	sand.u32 $0x1C00, s5;
	s2 =	sshll.u32 s2, $0x7;
	s19 =	smul.u32 $0x1800, s18  }
0x15c: {  	[tilespmem:s14], [sflag:$0x1] =	stream.indirect_vreg.gather [hbm4b:s8+s3], $0x80, v3, vm0, $0xb8;
	[tilespmem:$0x1E100] =	vst v63  }
0x15d: {  	s2 =	sand.u32 $0x1C00, s2;
	s14 =	smul.u32 $0xAAAB, s23;
	s13 =	sshrl.u32 s13, $0x11  }
0x15e: {  	[tilespmem:s15], [sflag:$0x1] =	stream.indirect_vreg.gather [hbm4b:s9+s3], $0x80, v3, vm0, $0xb8;
	[tilespmem:$0x1E100] =	vst v63  }
0x15f: {  	s23 =	sshrl.u32 s12, $0xE;
	s14 =	sshrl.u32 s14, $0x11;
	s13 =	sand.u32 $0x30, s13  }
0x160: {  	s7 =	ssub.s32 $0x0, s7;
	s14 =	sand.u32 $0x30, s14;
	s11 =	sadd.s32 s13, s11  }
0x161: {  	s15 =	simm.s32 $0x3;
	s10 =	sadd.s32 s14, s22;
	s22 =	sshll.u32 s11, $0x7  }
0x162: {  	_ =	swait.ge [sflag:s15], $0x6000;
	s14 =	smul.u32 $0xAAAB, s16;
	s6 =	sand.u32 $0x1C00, s22  }
0x163: {  	[sflag:s15] =	ssyncset.done $0x0;
	s22 =	sand.u32 $0x380, s23;
	s6 =	sadd.s32 s6, s19  }
0x164: {  	[sflag:s15] =	ssyncadd.s32 $0xFFFFA000;
	s24 =	sshrl.u32 s14, $0x11;
	s25 =	sor.u32 s22, s6  }
0x165: {  	s4 =	sadd.s32 s4, s19;
	s2 =	sadd.s32 s2, s19;
	s11 =	sand.u32 $0x30, s24;
	v3 =	vld [tilespmem:s25+$0x160]  }
0x166: {  	s0 =	sadd.s32 s0, s19;
	s5 =	sadd.s32 s5, s19;
	s11 =	sadd.s32 s11, s30  }
0x167: {  	s7 =	sshll.u32 s7, $0x7;
	s13 =	sor.u32 s22, s0;
	s29 =	sshll.u32 s11, $0x7  }
0x168: {  	s6 =	sor.u32 s22, s4;
	v4 =	vld [tilespmem:s13+$0x130];
	s30 =	sshll.u32 s10, $0x7;
	s4 =	sand.u32 $0x1C00, s29  }
0x169: {  	s7 =	sand.u32 $0xFF80, s7;
	v5 =	vld [tilespmem:s6+$0x120];
	s0 =	sand.u32 $0x1C00, s30;
	s4 =	sadd.s32 s4, s19  }
0x16a: {  	s7 =	sadd.s32 s7, s19;
	s0 =	sadd.s32 s0, s19;
	s12 =	sor.u32 s22, s4;
	[tilespmem:s25+$0x18160] =	vst.add.f32.msk $0xffff, v3  }
0x16b: {  	s17 =	sor.u32 s22, s7;
	s16 =	sor.u32 s22, s2;
	s14 =	sor.u32 s22, s0;
	v3 =	vld [tilespmem:s12+$0x170]  }
.LBB2_6:
0x16c: {  	s21 =	sadd.s32 $0x8, s21;
	v6 =	vld [tilespmem:s16+$0x110];
	s0 =	sor.u32 s22, s5  }
0x16d: {  	s5 =	sor.u32 $0x1, s21;
	s2 =	sor.u32 $0x2, s21;
	s4 =	sor.u32 $0x3, s21;
	v7 =	vld [tilespmem:s17+$0x100]  }
0x16e: {  	s7 =	sor.u32 $0x4, s21;
	s10 =	sor.u32 $0x5, s21;
	s15 =	sor.u32 $0x6, s21;
	[tilespmem:s6+$0x18120] =	vst.add.f32.msk $0xffff, v5  }
0x16f: {  	s11 =	smul.u32 $0xAAAB, s21;
	s18 =	sand.u32 $0xFFFF, s15;
	s6 =	sor.u32 $0x7, s21;
	v5 =	vld [tilespmem:s0+$0x140]  }
0x170: {  	s23 =	sand.u32 $0xFFFF, s5;
	s22 =	sand.u32 $0xFFFF, s4;
	s24 =	sand.u32 $0xFFFF, s10;
	v8 =	vld [tilespmem:s14+$0x150]  }
0x171: {  	s29 =	sand.u32 $0xFFFF, s2;
	s25 =	sshrl.u32 s11, $0x18;
	s22 =	smul.u32 $0xAAAB, s22;
	[tilespmem:s13+$0x18130] =	vst.add.f32.msk $0xffff, v4  }
0x172: {  	s18 =	smul.u32 $0xAAAB, s18;
	s30 =	sand.u32 $0xFFFF, s6;
	s13 =	sshrl.u32 s11, $0x15;
	[tilespmem:s17+$0x18100] =	vst.add.f32.msk $0xffff, v7  }
0x173: {  	s19 =	sand.u32 $0xFFFF, s7;
	s30 =	smul.u32 $0xAAAB, s30;
	s17 =	sshrl.u32 s22, $0x11;
	[tilespmem:s16+$0x18110] =	vst.add.f32.msk $0xffff, v6  }
0x174: {  	s11 =	sshrl.u32 s11, $0xE;
	s13 =	smul.u32 $0x30, s13;
	s16 =	sand.u32 $0x30, s17;
	[tilespmem:s12+$0x18170] =	vst.add.f32.msk $0xffff, v3  }
0x175: {  	p0 =	slt.u32 s21, $0x5F8;
	s12 =	smul.u32 $0xAAAB, s29;
	s4 =	sadd.s32 s16, s4;
	[tilespmem:s14+$0x18150] =	vst.add.f32.msk $0xffff, v8  }
0x176: {  	s13 =	ssub.s32 s21, s13;
	s4 =	sshll.u32 s4, $0x7;
	s14 =	smul.u32 $0xAAAB, s24;
	[tilespmem:s0+$0x18140] =	vst.add.f32.msk $0xffff, v5  }
0x177: {  	s22 =	sand.u32 $0x380, s11;
	s11 =	sshrl.u32 s18, $0x11;
	s0 =	sshll.u32 s13, $0x7  }
0x178: {  	s12 =	sshrl.u32 s12, $0x11;
	s13 =	smul.u32 $0xAAAB, s19;
	s14 =	sshrl.u32 s14, $0x11  }
0x179: {  	s16 =	smul.u32 $0xAAAB, s23;
	s0 =	sand.u32 $0xFF80, s0;
	s12 =	sand.u32 $0x30, s12  }
0x17a: {  	s4 =	sand.u32 $0x1C00, s4;
	s2 =	sadd.s32 s12, s2;
	s12 =	sand.u32 $0x30, s14  }
0x17b: {  	s11 =	sand.u32 $0x30, s11;
	s14 =	smul.u32 $0x1800, s25;
	s2 =	sshll.u32 s2, $0x7  }
0x17c: {  	s11 =	sadd.s32 s11, s15;
	s15 =	sshrl.u32 s30, $0x11;
	s2 =	sand.u32 $0x1C00, s2  }
0x17d: {  	s11 =	sshll.u32 s11, $0x7;
	s13 =	sshrl.u32 s13, $0x11;
	s2 =	sadd.s32 s2, s14  }
0x17e: {  	s16 =	sshrl.u32 s16, $0x11;
	s10 =	sadd.s32 s12, s10;
	s12 =	sand.u32 $0x30, s15  }
0x17f: {  	s11 =	sand.u32 $0x1C00, s11;
	s15 =	sand.u32 $0x30, s16;
	s13 =	sand.u32 $0x30, s13  }
0x180: {  	s5 =	sadd.s32 s15, s5;
	s7 =	sadd.s32 s13, s7;
	s11 =	sadd.s32 s11, s14  }
0x181: {  	s5 =	sshll.u32 s5, $0x7;
	s7 =	sshll.u32 s7, $0x7;
	s11 =	sor.u32 s22, s11  }
0x182: {  	s12 =	sadd.s32 s12, s6;
	s5 =	sand.u32 $0x1C00, s5;
	s7 =	sand.u32 $0x1C00, s7;
	v3 =	vld [tilespmem:s11+$0x160]  }
0x183: {  	s6 =	sor.u32 s22, s2;
	s2 =	sshll.u32 s12, $0x7;
	s5 =	sadd.s32 s5, s14  }
.Ltmp2:
0x184: {  	s4 =	sadd.s32 s4, s14;
	s2 =	sand.u32 $0x1C00, s2;
	v5 =	vld [tilespmem:s6+$0x120];
	(pc) =	sbr.rel @p0 .LBB2_6-.Ltmp2, $4  }
0x185: {  	s13 =	sor.u32 s22, s4;
	s4 =	sshll.u32 s10, $0x7;
	s2 =	sadd.s32 s2, s14  }
0x186: {  	s0 =	sadd.s32 s0, s14;
	s4 =	sand.u32 $0x1C00, s4;
	s12 =	sor.u32 s22, s2;
	v4 =	vld [tilespmem:s13+$0x130]  }
0x187: {  	s17 =	sor.u32 s22, s0;
	s0 =	sadd.s32 s4, s14;
	s16 =	sor.u32 s22, s5;
	[tilespmem:s11+$0x18160] =	vst.add.f32.msk $0xffff, v3  }
0x188: {  	s5 =	sadd.s32 s7, s14;
	s14 =	sor.u32 s22, s0;
	v3 =	vld [tilespmem:s12+$0x170]  }
0x189: {  	v6 =	vld [tilespmem:s16+$0x110]  }
0x18a: {  	v7 =	vld [tilespmem:s17+$0x100]  }
0x18b: {  	[tilespmem:s6+$0x18120] =	vst.add.f32.msk $0xffff, v5  }
0x18c: {  	s0 =	sor.u32 s22, s5;
	v8 =	vld [tilespmem:s14+$0x150]  }
0x18d: {  	v5 =	vld [tilespmem:s0+$0x140]  }
0x18e: {  	[tilespmem:s13+$0x18130] =	vst.add.f32.msk $0xffff, v4  }
0x18f: {  	[tilespmem:s12+$0x18170] =	vst.add.f32.msk $0xffff, v3  }
0x190: {  	[tilespmem:s17+$0x18100] =	vst.add.f32.msk $0xffff, v7  }
0x191: {  	[tilespmem:s16+$0x18110] =	vst.add.f32.msk $0xffff, v6  }
0x192: {  	[tilespmem:s14+$0x18150] =	vst.add.f32.msk $0xffff, v8  }
0x193: {  	[tilespmem:s0+$0x18140] =	vst.add.f32.msk $0xffff, v5  }
0x194: {  	s2 =	simm.s32 $0x18100;
	s22 =	simm.s32 $0xA;
	s0 =	rddreg [dreg:$0xc]  }
0x195: {  	[hbm4b:s0+s3] =	stream.linear.scatter [tilespmem:s2], [sflag:$0x6], $0x6000, $0x38;
	[tilespmem:$0x1E100] =	vst v63  }
0x196: {  	_ =	swait.ge [sflag:s22], $0x40  }
0x197: {  	[sflag:s22] =	ssyncset.done $0x0  }
0x198: {  	[sflag:s22] =	ssyncadd.s32 $0xFFFFFFC0  }
0x199: {  	_ =	swait.ge [sflag:s31], $0x6000  }
0x19a: {  	[sflag:s31] =	ssyncset.done $0x0  }
0x19b: {  	[sflag:s31] =	ssyncadd.s32 $0xFFFFA000  }
0x19c: {  	v3 =	vld [tilespmem:$0x80];
	_ =	sdelay $0x4  }
0x19d: {  	v4 =	vshrl.u32 v3, $0x3  }
0x19e: {  	v4 =	vmul.u32 $0x30, v4  }
0x19f: {  	v3 =	vand.u32 $0x7, v3  }
0x1a0: {  	v3 =	vor.u32 v3, v4  }
0x1a1: {  	v4 =	vperm.xlane v3, v0;
	_ =	sdelay $0x1  }
0x1a2: {  	v4 =	vadd.s32 v1, v4;
	_ =	sdelay $0x3  }
0x1a3: {  	s23 =	simm.s32 $0x12100;
	v3 =	vperm.xlane v3, v2  }
0x1a4: {  	[tilespmem:s23], [sflag:$0x2] =	stream.indirect_vreg.gather [hbm4b:s1+s3], $0x80, v4, vm0, $0xb8;
	[tilespmem:$0x1E100] =	vst v63  }
0x1a5: {  	s24 =	simm.s32 $0x12900;
	v3 =	vadd.s32 v1, v3  }
0x1a6: {  	[tilespmem:s24], [sflag:$0x2] =	stream.indirect_vreg.gather [hbm4b:s8+s3], $0x80, v4, vm0, $0xb8;
	[tilespmem:$0x1E100] =	vst v63  }
0x1a7: {  	s25 =	simm.s32 $0x13100  }
0x1a8: {  	[tilespmem:s25], [sflag:$0x2] =	stream.indirect_vreg.gather [hbm4b:s9+s3], $0x80, v4, vm0, $0xb8;
	[tilespmem:$0x1E100] =	vst v63  }
0x1a9: {  	s29 =	simm.s32 $0x13900  }
0x1aa: {  	[tilespmem:s29], [sflag:$0x2] =	stream.indirect_vreg.gather [hbm4b:s1+s3], $0x80, v3, vm0, $0xb8;
	[tilespmem:$0x1E100] =	vst v63  }
0x1ab: {  	s30 =	simm.s32 $0x14100  }
0x1ac: {  	[tilespmem:s30], [sflag:$0x2] =	stream.indirect_vreg.gather [hbm4b:s8+s3], $0x80, v3, vm0, $0xb8;
	[tilespmem:$0x1E100] =	vst v63  }
0x1ad: {  	s2 =	simm.s32 $0x14900  }
0x1ae: {  	[tilespmem:s2], [sflag:$0x2] =	stream.indirect_vreg.gather [hbm4b:s9+s3], $0x80, v3, vm0, $0xb8;
	[tilespmem:$0x1E100] =	vst v63  }
0x1af: {  	v3 =	vld [tilespmem:$0x90];
	_ =	sdelay $0x4  }
0x1b0: {  	v4 =	vshrl.u32 v3, $0x3  }
0x1b1: {  	v4 =	vmul.u32 $0x30, v4  }
0x1b2: {  	v3 =	vand.u32 $0x7, v3  }
0x1b3: {  	v3 =	vor.u32 v3, v4  }
0x1b4: {  	v4 =	vperm.xlane v3, v0  }
0x1b5: {  	s4 =	simm.s32 $0x15100;
	s5 =	simm.s32 $0x15900;
	s21 =	simm.s32 $0x0  }
0x1b6: {  	s6 =	simm.s32 $0x16100;
	s7 =	simm.s32 $0x16900;
	s16 =	sor.u32 $0x7, s21;
	v4 =	vadd.s32 v1, v4  }
0x1b7: {  	s10 =	simm.s32 $0x17100;
	s13 =	smul.u32 $0xAAAB, s21;
	s15 =	sand.u32 $0xFFFF, s16  }
0x1b8: {  	s11 =	simm.s32 $0x17900;
	s15 =	smul.u32 $0xAAAB, s15;
	s0 =	sor.u32 $0x1, s21  }
0x1b9: {  	s12 =	simm.s32 $0x1;
	s17 =	sand.u32 $0xFFFF, s0;
	s24 =	sshrl.u32 s13, $0x18  }
0x1ba: {  	s15 =	sshrl.u32 s15, $0x11;
	s23 =	sshrl.u32 s13, $0x15;
	s29 =	smul.u32 $0x6000, s24;
	v3 =	vperm.xlane v3, v2  }
0x1bb: {  	[tilespmem:s4], [sflag:$0x2] =	stream.indirect_vreg.gather [hbm4b:s1+s3], $0x80, v4, vm0, $0xb8;
	[tilespmem:$0x1E100] =	vst v63  }
0x1bc: {  	s15 =	sand.u32 $0x30, s15;
	s30 =	smul.u32 $0x30, s23;
	s2 =	sor.u32 $0x2, s21;
	v3 =	vadd.s32 v1, v3  }
0x1bd: {  	[tilespmem:s5], [sflag:$0x2] =	stream.indirect_vreg.gather [hbm4b:s8+s3], $0x80, v4, vm0, $0xb8;
	[tilespmem:$0x1E100] =	vst v63  }
0x1be: {  	s19 =	sand.u32 $0xFFFF, s2;
	s5 =	sshrl.u32 s13, $0xE;
	s13 =	smul.u32 $0xAAAB, s17  }
0x1bf: {  	[tilespmem:s6], [sflag:$0x2] =	stream.indirect_vreg.gather [hbm4b:s9+s3], $0x80, v4, vm0, $0xb8;
	[tilespmem:$0x1E100] =	vst v63  }
0x1c0: {  	s19 =	smul.u32 $0xAAAB, s19;
	s4 =	sor.u32 $0x3, s21;
	s13 =	sshrl.u32 s13, $0x11  }
0x1c1: {  	[tilespmem:s7], [sflag:$0x2] =	stream.indirect_vreg.gather [hbm4b:s1+s3], $0x80, v3, vm0, $0xb8;
	[tilespmem:$0x1E100] =	vst v63  }
0x1c2: {  	s5 =	sand.u32 $0x380, s5;
	s13 =	sand.u32 $0x30, s13;
	s7 =	sor.u32 $0x5, s21  }
0x1c3: {  	s6 =	sor.u32 $0x4, s21;
	s0 =	sadd.s32 s13, s0;
	s18 =	sand.u32 $0xFFFF, s7  }
0x1c4: {  	[tilespmem:s10], [sflag:$0x2] =	stream.indirect_vreg.gather [hbm4b:s8+s3], $0x80, v3, vm0, $0xb8;
	[tilespmem:$0x1E100] =	vst v63  }
0x1c5: {  	s0 =	sshll.u32 s0, $0x7;
	s10 =	sand.u32 $0xFFFF, s4;
	s18 =	smul.u32 $0xAAAB, s18  }
0x1c6: {  	s25 =	sand.u32 $0xFFFF, s6;
	s0 =	sand.u32 $0x1C00, s0;
	s10 =	smul.u32 $0xAAAB, s10  }
0x1c7: {  	[tilespmem:s11], [sflag:$0x2] =	stream.indirect_vreg.gather [hbm4b:s9+s3], $0x80, v3, vm0, $0xb8;
	[tilespmem:$0x1E100] =	vst v63  }
0x1c8: {  	s11 =	sor.u32 $0x6, s21;
	s17 =	sshrl.u32 s18, $0x11;
	s18 =	sadd.s32 $0x18000, s29  }
0x1c9: {  	_ =	swait.ge [sflag:s12], $0x6000;
	s22 =	sand.u32 $0xFFFF, s11;
	s10 =	sshrl.u32 s10, $0x11  }
0x1ca: {  	[sflag:s12] =	ssyncset.done $0x0;
	s10 =	sand.u32 $0x30, s10;
	s14 =	smul.u32 $0xAAAB, s22  }
0x1cb: {  	s22 =	sshrl.u32 s29, $0x2;
	[sflag:s12] =	ssyncadd.s32 $0xFFFFA000;
	s4 =	sadd.s32 s10, s4  }
0x1cc: {  	s12 =	sadd.s32 s15, s16;
	s10 =	smul.u32 $0xAAAB, s25;
	s16 =	sshrl.u32 s19, $0x11  }
0x1cd: {  	s19 =	ssub.s32 $0x0, s30;
	s4 =	sshll.u32 s4, $0x7;
	s12 =	sshll.u32 s12, $0x7  }
0x1ce: {  	s14 =	sshrl.u32 s14, $0x11;
	s13 =	sand.u32 $0x30, s16;
	s16 =	sand.u32 $0x30, s17  }
0x1cf: {  	s12 =	sand.u32 $0x1C00, s12;
	s4 =	sand.u32 $0x1C00, s4;
	s14 =	sand.u32 $0x30, s14  }
0x1d0: {  	s10 =	sshrl.u32 s10, $0x11;
	s2 =	sadd.s32 s13, s2;
	s7 =	sadd.s32 s16, s7  }
0x1d1: {  	s13 =	sshrl.u32 s18, $0x2;
	s11 =	sadd.s32 s14, s11;
	s10 =	sand.u32 $0x30, s10  }
0x1d2: {  	s2 =	sshll.u32 s2, $0x7;
	s7 =	sshll.u32 s7, $0x7;
	s13 =	sor.u32 $0x100, s13  }
0x1d3: {  	s14 =	sadd.s32 $0xC100, s22;
	s11 =	sshll.u32 s11, $0x7;
	s6 =	sadd.s32 s10, s6  }
0x1d4: {  	s10 =	sshll.u32 s19, $0x7;
	s2 =	sand.u32 $0x1C00, s2;
	s7 =	sand.u32 $0x1C00, s7  }
0x1d5: {  	s15 =	sadd.s32 s12, s13;
	s24 =	sadd.s32 s0, s13;
	s0 =	sadd.s32 s0, s14  }
0x1d6: {  	s30 =	sadd.s32 s12, s14;
	s6 =	sshll.u32 s6, $0x7;
	s10 =	sand.u32 $0xFF80, s10  }
0x1d7: {  	s11 =	sand.u32 $0x1C00, s11;
	s23 =	sadd.s32 s2, s13;
	s17 =	sadd.s32 s5, s24  }
0x1d8: {  	s0 =	sadd.s32 s5, s0;
	s2 =	sadd.s32 s2, s14;
	s25 =	sadd.s32 s7, s14;
	v4 =	vld [tilespmem:s17+$0x10]  }
0x1d9: {  	s7 =	sadd.s32 s7, s13;
	s6 =	sand.u32 $0x1C00, s6;
	s16 =	sadd.s32 s5, s23  }
0x1da: {  	s19 =	sadd.s32 s5, s25;
	s29 =	sadd.s32 s11, s13;
	s7 =	sadd.s32 s5, s7;
	v3 =	vld [tilespmem:s16+$0x20]  }
0x1db: {  	s2 =	sadd.s32 s5, s2;
	s22 =	sadd.s32 s10, s13;
	s11 =	sadd.s32 s11, s14  }
0x1dc: {  	s0 =	sor.u32 $0x10, s0;
	s16 =	sadd.s32 s4, s14;
	s4 =	sadd.s32 s4, s13;
	v5 =	vld [tilespmem:s7+$0x50]  }
0x1dd: {  	s10 =	sadd.s32 s10, s14;
	s18 =	sadd.s32 s6, s13;
	s4 =	sadd.s32 s5, s4;
	[tilespmem:s0+$0x0] =	vst.add.f32.msk $0xffff, v4  }
0x1de: {  	s2 =	sor.u32 $0x20, s2;
	s17 =	sadd.s32 s5, s29;
	s23 =	sadd.s32 s6, s14;
	v4 =	vld [tilespmem:s4+$0x30]  }
0x1df: {  	s24 =	sor.u32 $0x50, s19;
	s29 =	sadd.s32 s5, s30;
	s7 =	sadd.s32 s5, s15;
	[tilespmem:s2+$0x0] =	vst.add.f32.msk $0xffff, v3  }
0x1e0: {  	s30 =	sadd.s32 s5, s11;
	s14 =	sadd.s32 s5, s10;
	s25 =	sadd.s32 s5, s16;
	v3 =	vld [tilespmem:s17+$0x60]  }
0x1e1: {  	s6 =	sadd.s32 s5, s18;
	s10 =	sor.u32 $0x70, s29;
	s2 =	sadd.s32 s5, s22;
	[tilespmem:s24+$0x0] =	vst.add.f32.msk $0xffff, v5  }
0x1e2: {  	s15 =	sor.u32 $0x60, s30;
	s12 =	sor.u32 $0x30, s25;
	s5 =	sadd.s32 s5, s23;
	v5 =	vld [tilespmem:s2+$0x0]  }
.LBB2_8:
0x1e3: {  	s21 =	sadd.s32 $0x8, s21  }
0x1e4: {  	v6 =	vld [tilespmem:s6+$0x40];
	s0 =	sor.u32 $0x40, s5;
	s13 =	sor.u32 $0x1, s21;
	s5 =	sor.u32 $0x2, s21  }
0x1e5: {  	s2 =	sor.u32 $0x3, s21;
	v7 =	vld [tilespmem:s7+$0x70];
	s6 =	sor.u32 $0x4, s21;
	s7 =	sor.u32 $0x5, s21  }
0x1e6: {  	s4 =	sor.u32 $0x6, s21;
	s11 =	smul.u32 $0xAAAB, s21;
	s16 =	sor.u32 $0x7, s21;
	[tilespmem:s12+$0x0] =	vst.add.f32.msk $0xffff, v4  }
0x1e7: {  	p0 =	slt.u32 s21, $0x5F8;
	s12 =	sand.u32 $0xFFFF, s2;
	s17 =	sand.u32 $0xFFFF, s4;
	[tilespmem:s15+$0x0] =	vst.add.f32.msk $0xffff, v3  }
0x1e8: {  	s18 =	sand.u32 $0xFFFF, s16;
	s23 =	sand.u32 $0xFFFF, s6;
	s15 =	sand.u32 $0xFFFF, s13;
	[tilespmem:s14+$0x0] =	vst.add.f32.msk $0xffff, v5  }
0x1e9: {  	s19 =	sshrl.u32 s11, $0x18;
	s12 =	smul.u32 $0xAAAB, s12;
	s14 =	sshrl.u32 s11, $0x15;
	[tilespmem:s0+$0x0] =	vst.add.f32.msk $0xffff, v6  }
0x1ea: {  	s18 =	smul.u32 $0xAAAB, s18;
	s0 =	sand.u32 $0xFFFF, s5;
	[tilespmem:s10+$0x0] =	vst.add.f32.msk $0xffff, v7;
	s10 =	sshrl.u32 s11, $0xE  }
0x1eb: {  	s11 =	sshrl.u32 s12, $0x11;
	s12 =	sand.u32 $0xFFFF, s7;
	s0 =	smul.u32 $0xAAAB, s0  }
0x1ec: {  	s22 =	sand.u32 $0x380, s10;
	s24 =	smul.u32 $0xAAAB, s12;
	s10 =	sshrl.u32 s18, $0x11  }
0x1ed: {  	s11 =	sand.u32 $0x30, s11;
	s12 =	smul.u32 $0xAAAB, s17;
	s10 =	sand.u32 $0x30, s10  }
0x1ee: {  	s2 =	sadd.s32 s11, s2;
	s11 =	smul.u32 $0xAAAB, s15;
	s10 =	sadd.s32 s10, s16  }
0x1ef: {  	s15 =	smul.u32 $0xAAAB, s23;
	s2 =	sshll.u32 s2, $0x7;
	s10 =	sshll.u32 s10, $0x7  }
0x1f0: {  	s0 =	sshrl.u32 s0, $0x11;
	s16 =	sshrl.u32 s12, $0x11;
	s10 =	sand.u32 $0x1C00, s10  }
0x1f1: {  	s11 =	sshrl.u32 s11, $0x11;
	s12 =	sand.u32 $0x1C00, s2;
	s2 =	sand.u32 $0x30, s16  }
0x1f2: {  	s16 =	smul.u32 $0x6000, s19;
	s11 =	sand.u32 $0x30, s11;
	s2 =	sadd.s32 s2, s4  }
0x1f3: {  	s4 =	smul.u32 $0x30, s14;
	s11 =	sadd.s32 s11, s13;
	s13 =	sshrl.u32 s15, $0x11  }
0x1f4: {  	s0 =	sand.u32 $0x30, s0;
	s11 =	sshll.u32 s11, $0x7;
	s13 =	sand.u32 $0x30, s13  }
0x1f5: {  	s0 =	sadd.s32 s0, s5;
	s14 =	sshrl.u32 s24, $0x11;
	s2 =	sshll.u32 s2, $0x7  }
0x1f6: {  	s0 =	sshll.u32 s0, $0x7;
	s15 =	sadd.s32 $0x18000, s16;
	s5 =	sand.u32 $0x30, s14  }
0x1f7: {  	s0 =	sand.u32 $0x1C00, s0;
	s5 =	sadd.s32 s5, s7;
	s6 =	sadd.s32 s13, s6  }
0x1f8: {  	s4 =	ssub.s32 s21, s4;
	s5 =	sshll.u32 s5, $0x7;
	s6 =	sshll.u32 s6, $0x7  }
0x1f9: {  	s7 =	sshrl.u32 s15, $0x2;
	s4 =	sshll.u32 s4, $0x7;
	s5 =	sand.u32 $0x1C00, s5  }
0x1fa: {  	s2 =	sand.u32 $0x1C00, s2;
	s13 =	sshrl.u32 s16, $0x2;
	s15 =	sand.u32 $0x1C00, s6  }
0x1fb: {  	s7 =	sor.u32 $0x100, s7;
	s4 =	sand.u32 $0xFF80, s4;
	s13 =	sadd.s32 $0xC100, s13  }
0x1fc: {  	s17 =	sadd.s32 s0, s7;
	s6 =	sand.u32 $0x1C00, s11;
	s11 =	sadd.s32 s10, s7  }
0x1fd: {  	s14 =	sadd.s32 s6, s7;
	s6 =	sadd.s32 s6, s13;
	s16 =	sadd.s32 s15, s7  }
0x1fe: {  	s0 =	sadd.s32 s0, s13;
	s17 =	sadd.s32 s22, s17;
	s6 =	sadd.s32 s22, s6  }
0x1ff: {  	s18 =	sadd.s32 s12, s13;
	s19 =	sadd.s32 s5, s13;
	s5 =	sadd.s32 s5, s7  }
0x200: {  	s10 =	sadd.s32 s10, s13;
	s14 =	sadd.s32 s22, s14;
	v3 =	vld [tilespmem:s17+$0x20];
	s17 =	sadd.s32 s22, s19  }
0x201: {  	s19 =	sadd.s32 s2, s7;
	v4 =	vld [tilespmem:s14+$0x10];
	s14 =	sadd.s32 s12, s7;
	s17 =	sor.u32 $0x50, s17  }
0x202: {  	s5 =	sadd.s32 s22, s5;
	s0 =	sadd.s32 s22, s0;
	s12 =	sadd.s32 s22, s18  }
0x203: {  	s0 =	sor.u32 $0x20, s0;
	s12 =	sor.u32 $0x30, s12;
	v5 =	vld [tilespmem:s5+$0x50];
	s5 =	sadd.s32 s22, s10  }
0x204: {  	s2 =	sadd.s32 s2, s13;
	s18 =	sor.u32 $0x10, s6;
	s10 =	sor.u32 $0x70, s5  }
0x205: {  	s6 =	sadd.s32 s22, s16;
	s5 =	sadd.s32 s22, s19;
	[tilespmem:s0+$0x0] =	vst.add.f32.msk $0xffff, v3;
	s0 =	sadd.s32 s22, s14  }
.Ltmp3:
0x206: {  	s14 =	sadd.s32 s4, s7;
	s7 =	sadd.s32 s22, s11;
	v3 =	vld [tilespmem:s5+$0x60];
	(pc) =	sbr.rel @p0 .LBB2_8-.Ltmp3, $4  }
0x207: {  	s2 =	sadd.s32 s22, s2;
	s4 =	sadd.s32 s4, s13;
	s11 =	sadd.s32 s22, s14;
	[tilespmem:s18+$0x0] =	vst.add.f32.msk $0xffff, v4  }
0x208: {  	s14 =	sadd.s32 s22, s4;
	v4 =	vld [tilespmem:s0+$0x30];
	s0 =	sadd.s32 s15, s13  }
0x209: {  	s5 =	sadd.s32 s22, s0;
	[tilespmem:s17+$0x0] =	vst.add.f32.msk $0xffff, v5  }
0x20a: {  	s15 =	sor.u32 $0x60, s2;
	v5 =	vld [tilespmem:s11+$0x0]  }
0x20b: {  	v6 =	vld [tilespmem:s6+$0x40]  }
0x20c: {  	v7 =	vld [tilespmem:s7+$0x70]  }
0x20d: {  	[tilespmem:s15+$0x0] =	vst.add.f32.msk $0xffff, v3  }
0x20e: {  	[tilespmem:s12+$0x0] =	vst.add.f32.msk $0xffff, v4  }
0x20f: {  	s0 =	sor.u32 $0x40, s5;
	[tilespmem:s14+$0x0] =	vst.add.f32.msk $0xffff, v5  }
0x210: {  	[tilespmem:s0+$0x0] =	vst.add.f32.msk $0xffff, v6  }
0x211: {  	[tilespmem:s10+$0x0] =	vst.add.f32.msk $0xffff, v7  }
0x212: {  	s2 =	simm.s32 $0xC100;
	s19 =	simm.s32 $0x6;
	s0 =	rddreg [dreg:$0xd]  }
0x213: {  	[hbm4b:s0+s3] =	stream.linear.scatter [tilespmem:s2], [sflag:$0x4], $0x6000, $0x38;
	[tilespmem:$0x1E100] =	vst v63  }
0x214: {  	_ =	swait.ge [sflag:s19], $0x6000  }
0x215: {  	[sflag:s19] =	ssyncset.done $0x0  }
0x216: {  	[sflag:s19] =	ssyncadd.s32 $0xFFFFA000  }
0x217: {  	v3 =	vld [tilespmem:$0xA0];
	_ =	sdelay $0x4  }
0x218: {  	v4 =	vshrl.u32 v3, $0x3  }
0x219: {  	v4 =	vmul.u32 $0x30, v4  }
0x21a: {  	v3 =	vand.u32 $0x7, v3  }
0x21b: {  	v3 =	vor.u32 v3, v4  }
0x21c: {  	v4 =	vperm.xlane v3, v0;
	_ =	sdelay $0x1  }
0x21d: {  	v4 =	vadd.s32 v1, v4;
	_ =	sdelay $0x3  }
0x21e: {  	s21 =	simm.s32 $0x18100;
	v3 =	vperm.xlane v3, v2  }
0x21f: {  	[tilespmem:s21], [sflag:$0x3] =	stream.indirect_vreg.gather [hbm4b:s1+s3], $0x80, v4, vm0, $0xb8;
	[tilespmem:$0x1E100] =	vst v63  }
0x220: {  	s22 =	simm.s32 $0x18900;
	v3 =	vadd.s32 v1, v3  }
0x221: {  	[tilespmem:s22], [sflag:$0x3] =	stream.indirect_vreg.gather [hbm4b:s8+s3], $0x80, v4, vm0, $0xb8;
	[tilespmem:$0x1E100] =	vst v63  }
0x222: {  	s23 =	simm.s32 $0x19100  }
0x223: {  	[tilespmem:s23], [sflag:$0x3] =	stream.indirect_vreg.gather [hbm4b:s9+s3], $0x80, v4, vm0, $0xb8;
	[tilespmem:$0x1E100] =	vst v63  }
0x224: {  	s24 =	simm.s32 $0x19900  }
0x225: {  	[tilespmem:s24], [sflag:$0x3] =	stream.indirect_vreg.gather [hbm4b:s1+s3], $0x80, v3, vm0, $0xb8;
	[tilespmem:$0x1E100] =	vst v63  }
0x226: {  	s25 =	simm.s32 $0x1A100  }
0x227: {  	[tilespmem:s25], [sflag:$0x3] =	stream.indirect_vreg.gather [hbm4b:s8+s3], $0x80, v3, vm0, $0xb8;
	[tilespmem:$0x1E100] =	vst v63  }
0x228: {  	s29 =	simm.s32 $0x1A900  }
0x229: {  	[tilespmem:s29], [sflag:$0x3] =	stream.indirect_vreg.gather [hbm4b:s9+s3], $0x80, v3, vm0, $0xb8;
	[tilespmem:$0x1E100] =	vst v63  }
0x22a: {  	v3 =	vld [tilespmem:$0xB0];
	_ =	sdelay $0x4  }
0x22b: {  	v4 =	vshrl.u32 v3, $0x3  }
0x22c: {  	v4 =	vmul.u32 $0x30, v4  }
0x22d: {  	v3 =	vand.u32 $0x7, v3  }
0x22e: {  	v3 =	vor.u32 v3, v4  }
0x22f: {  	v4 =	vperm.xlane v3, v0  }
0x230: {  	s30 =	simm.s32 $0x1B100  }
0x231: {  	s4 =	simm.s32 $0x1C100;
	s5 =	simm.s32 $0x1C900;
	s6 =	simm.s32 $0x1D100;
	v4 =	vadd.s32 v1, v4  }
0x232: {  	s7 =	simm.s32 $0x1D900;
	s2 =	simm.s32 $0x1B900;
	s21 =	simm.s32 $0x0  }
0x233: {  	s10 =	sor.u32 $0x3, s21;
	s12 =	sor.u32 $0x1, s21;
	s11 =	sor.u32 $0x6, s21  }
0x234: {  	s18 =	sor.u32 $0x4, s21;
	s15 =	sor.u32 $0x7, s21;
	s13 =	sand.u32 $0xFFFF, s11  }
0x235: {  	s17 =	sand.u32 $0xFFFF, s10;
	s22 =	sor.u32 $0x5, s21;
	s13 =	smul.u32 $0xAAAB, s13;
	v3 =	vperm.xlane v3, v2  }
0x236: {  	[tilespmem:s30], [sflag:$0x3] =	stream.indirect_vreg.gather [hbm4b:s1+s3], $0x80, v4, vm0, $0xb8;
	[tilespmem:$0x1E100] =	vst v63  }
0x237: {  	s23 =	smul.u32 $0xAAAB, s21;
	s13 =	sshrl.u32 s13, $0x11;
	s24 =	sand.u32 $0xFFFF, s22;
	v3 =	vadd.s32 v1, v3  }
0x238: {  	[tilespmem:s2], [sflag:$0x3] =	stream.indirect_vreg.gather [hbm4b:s8+s3], $0x80, v4, vm0, $0xb8;
	[tilespmem:$0x1E100] =	vst v63  }
0x239: {  	s16 =	sand.u32 $0xFFFF, s15;
	s13 =	sand.u32 $0x30, s13;
	s14 =	smul.u32 $0xAAAB, s24  }
0x23a: {  	[tilespmem:s4], [sflag:$0x3] =	stream.indirect_vreg.gather [hbm4b:s9+s3], $0x80, v4, vm0, $0xb8;
	[tilespmem:$0x1E100] =	vst v63  }
0x23b: {  	s11 =	sadd.s32 s13, s11;
	s14 =	sshrl.u32 s14, $0x11;
	s29 =	sand.u32 $0xFFFF, s12  }
0x23c: {  	[tilespmem:s5], [sflag:$0x3] =	stream.indirect_vreg.gather [hbm4b:s1+s3], $0x80, v3, vm0, $0xb8;
	[tilespmem:$0x1E100] =	vst v63  }
0x23d: {  	s14 =	sand.u32 $0x30, s14;
	s4 =	sor.u32 $0x2, s21;
	s5 =	smul.u32 $0xAAAB, s17  }
0x23e: {  	[tilespmem:s6], [sflag:$0x3] =	stream.indirect_vreg.gather [hbm4b:s8+s3], $0x80, v3, vm0, $0xb8;
	[tilespmem:$0x1E100] =	vst v63  }
0x23f: {  	s30 =	sand.u32 $0xFFFF, s18;
	s19 =	sand.u32 $0xFFFF, s4;
	s5 =	sshrl.u32 s5, $0x11  }
0x240: {  	[tilespmem:s7], [sflag:$0x3] =	stream.indirect_vreg.gather [hbm4b:s9+s3], $0x80, v3, vm0, $0xb8;
	[tilespmem:$0x1E100] =	vst v63  }
0x241: {  	s17 =	sshrl.u32 s23, $0x15;
	s5 =	sand.u32 $0x30, s5;
	s7 =	smul.u32 $0xAAAB, s19  }
0x242: {  	s0 =	sadd.s32 s5, s10;
	s5 =	smul.u32 $0xAAAB, s30;
	s10 =	sadd.s32 s14, s22  }
0x243: {  	s14 =	smul.u32 $0xAAAB, s16;
	s22 =	sshll.u32 s11, $0x7;
	_ =	swait.ge [sflag:s26], $0x6000  }
0x244: {  	s6 =	sand.u32 $0x1C00, s22;
	s0 =	sshll.u32 s0, $0x7;
	s30 =	sshll.u32 s10, $0x7  }
0x245: {  	[sflag:s26] =	ssyncset.done $0x0;
	s7 =	sshrl.u32 s7, $0x11;
	s5 =	sshrl.u32 s5, $0x11  }
0x246: {  	s24 =	sshrl.u32 s14, $0x11;
	s0 =	sand.u32 $0x1C00, s0;
	s25 =	sand.u32 $0x30, s7  }
0x247: {  	s7 =	smul.u32 $0xAAAB, s29;
	s5 =	sand.u32 $0x30, s5;
	[sflag:s26] =	ssyncadd.s32 $0xFFFFA000  }
0x248: {  	s11 =	sand.u32 $0x30, s24;
	s4 =	sadd.s32 s25, s4;
	s5 =	sadd.s32 s5, s18  }
0x249: {  	s18 =	sshrl.u32 s23, $0x18;
	s23 =	sshrl.u32 s23, $0xE;
	s11 =	sadd.s32 s11, s15  }
0x24a: {  	s7 =	sshrl.u32 s7, $0x11;
	s19 =	smul.u32 $0x1800, s18;
	s22 =	sand.u32 $0x380, s23  }
0x24b: {  	s4 =	sshll.u32 s4, $0x7;
	s5 =	sshll.u32 s5, $0x7;
	s29 =	sshll.u32 s11, $0x7  }
0x24c: {  	s7 =	sand.u32 $0x30, s7;
	s4 =	sand.u32 $0x1C00, s4;
	s6 =	sadd.s32 s6, s19  }
0x24d: {  	s5 =	sand.u32 $0x1C00, s5;
	s2 =	sadd.s32 s7, s12;
	s25 =	sor.u32 s22, s6  }
0x24e: {  	s7 =	smul.u32 $0x30, s17;
	s4 =	sadd.s32 s4, s19;
	s0 =	sadd.s32 s0, s19;
	v3 =	vld [tilespmem:s25+$0x160]  }
0x24f: {  	s5 =	sadd.s32 s5, s19;
	s2 =	sshll.u32 s2, $0x7;
	s6 =	sor.u32 s22, s4  }
0x250: {  	s4 =	sand.u32 $0x1C00, s29;
	s13 =	sor.u32 s22, s0;
	s7 =	ssub.s32 $0x0, s7  }
0x251: {  	s0 =	sand.u32 $0x1C00, s30;
	s2 =	sand.u32 $0x1C00, s2;
	v5 =	vld [tilespmem:s6+$0x120];
	s7 =	sshll.u32 s7, $0x7  }
0x252: {  	s4 =	sadd.s32 s4, s19;
	s0 =	sadd.s32 s0, s19;
	v4 =	vld [tilespmem:s13+$0x130];
	s7 =	sand.u32 $0xFF80, s7  }
0x253: {  	s2 =	sadd.s32 s2, s19;
	s12 =	sor.u32 s22, s4;
	s7 =	sadd.s32 s7, s19;
	[tilespmem:s25+$0x12160] =	vst.add.f32.msk $0xffff, v3  }
0x254: {  	s14 =	sor.u32 s22, s0;
	s16 =	sor.u32 s22, s2;
	s17 =	sor.u32 s22, s7;
	v3 =	vld [tilespmem:s12+$0x170]  }
.LBB2_10:
0x255: {  	s21 =	sadd.s32 $0x8, s21;
	v6 =	vld [tilespmem:s16+$0x110];
	s0 =	sor.u32 s22, s5  }
0x256: {  	s5 =	sor.u32 $0x1, s21;
	s2 =	sor.u32 $0x2, s21;
	s4 =	sor.u32 $0x3, s21;
	v7 =	vld [tilespmem:s17+$0x100]  }
0x257: {  	s7 =	sor.u32 $0x4, s21;
	s10 =	sor.u32 $0x5, s21;
	s15 =	sor.u32 $0x6, s21;
	[tilespmem:s6+$0x12120] =	vst.add.f32.msk $0xffff, v5  }
0x258: {  	s11 =	smul.u32 $0xAAAB, s21;
	s18 =	sand.u32 $0xFFFF, s15;
	s6 =	sor.u32 $0x7, s21;
	v5 =	vld [tilespmem:s0+$0x140]  }
0x259: {  	s19 =	sand.u32 $0xFFFF, s5;
	s22 =	sand.u32 $0xFFFF, s4;
	s23 =	sand.u32 $0xFFFF, s10;
	v8 =	vld [tilespmem:s14+$0x150]  }
0x25a: {  	s25 =	sand.u32 $0xFFFF, s2;
	s24 =	sshrl.u32 s11, $0x18;
	s22 =	smul.u32 $0xAAAB, s22;
	[tilespmem:s13+$0x12130] =	vst.add.f32.msk $0xffff, v4  }
0x25b: {  	s18 =	smul.u32 $0xAAAB, s18;
	s29 =	sand.u32 $0xFFFF, s6;
	s13 =	sshrl.u32 s11, $0x15;
	[tilespmem:s17+$0x12100] =	vst.add.f32.msk $0xffff, v7  }
0x25c: {  	s30 =	sand.u32 $0xFFFF, s7;
	s29 =	smul.u32 $0xAAAB, s29;
	s17 =	sshrl.u32 s22, $0x11;
	[tilespmem:s16+$0x12110] =	vst.add.f32.msk $0xffff, v6  }
0x25d: {  	s11 =	sshrl.u32 s11, $0xE;
	s13 =	smul.u32 $0x30, s13;
	s16 =	sand.u32 $0x30, s17;
	[tilespmem:s12+$0x12170] =	vst.add.f32.msk $0xffff, v3  }
0x25e: {  	p0 =	slt.u32 s21, $0x5F8;
	s12 =	smul.u32 $0xAAAB, s25;
	s4 =	sadd.s32 s16, s4;
	[tilespmem:s14+$0x12150] =	vst.add.f32.msk $0xffff, v8  }
0x25f: {  	s13 =	ssub.s32 s21, s13;
	s4 =	sshll.u32 s4, $0x7;
	s14 =	smul.u32 $0xAAAB, s23;
	[tilespmem:s0+$0x12140] =	vst.add.f32.msk $0xffff, v5  }
0x260: {  	s22 =	sand.u32 $0x380, s11;
	s11 =	sshrl.u32 s18, $0x11;
	s0 =	sshll.u32 s13, $0x7  }
0x261: {  	s12 =	sshrl.u32 s12, $0x11;
	s13 =	smul.u32 $0xAAAB, s30;
	s14 =	sshrl.u32 s14, $0x11  }
0x262: {  	s16 =	smul.u32 $0xAAAB, s19;
	s0 =	sand.u32 $0xFF80, s0;
	s12 =	sand.u32 $0x30, s12  }
0x263: {  	s4 =	sand.u32 $0x1C00, s4;
	s2 =	sadd.s32 s12, s2;
	s12 =	sand.u32 $0x30, s14  }
0x264: {  	s11 =	sand.u32 $0x30, s11;
	s14 =	smul.u32 $0x1800, s24;
	s2 =	sshll.u32 s2, $0x7  }
0x265: {  	s11 =	sadd.s32 s11, s15;
	s15 =	sshrl.u32 s29, $0x11;
	s2 =	sand.u32 $0x1C00, s2  }
0x266: {  	s11 =	sshll.u32 s11, $0x7;
	s13 =	sshrl.u32 s13, $0x11;
	s2 =	sadd.s32 s2, s14  }
0x267: {  	s16 =	sshrl.u32 s16, $0x11;
	s10 =	sadd.s32 s12, s10;
	s12 =	sand.u32 $0x30, s15  }
0x268: {  	s11 =	sand.u32 $0x1C00, s11;
	s15 =	sand.u32 $0x30, s16;
	s13 =	sand.u32 $0x30, s13  }
0x269: {  	s5 =	sadd.s32 s15, s5;
	s7 =	sadd.s32 s13, s7;
	s11 =	sadd.s32 s11, s14  }
0x26a: {  	s5 =	sshll.u32 s5, $0x7;
	s7 =	sshll.u32 s7, $0x7;
	s11 =	sor.u32 s22, s11  }
0x26b: {  	s12 =	sadd.s32 s12, s6;
	s5 =	sand.u32 $0x1C00, s5;
	s7 =	sand.u32 $0x1C00, s7;
	v3 =	vld [tilespmem:s11+$0x160]  }
0x26c: {  	s6 =	sor.u32 s22, s2;
	s2 =	sshll.u32 s12, $0x7;
	s5 =	sadd.s32 s5, s14  }
.Ltmp4:
0x26d: {  	s4 =	sadd.s32 s4, s14;
	s2 =	sand.u32 $0x1C00, s2;
	v5 =	vld [tilespmem:s6+$0x120];
	(pc) =	sbr.rel @p0 .LBB2_10-.Ltmp4, $4  }
0x26e: {  	s13 =	sor.u32 s22, s4;
	s4 =	sshll.u32 s10, $0x7;
	s2 =	sadd.s32 s2, s14  }
0x26f: {  	s0 =	sadd.s32 s0, s14;
	s4 =	sand.u32 $0x1C00, s4;
	s12 =	sor.u32 s22, s2;
	v4 =	vld [tilespmem:s13+$0x130]  }
0x270: {  	s17 =	sor.u32 s22, s0;
	s0 =	sadd.s32 s4, s14;
	s16 =	sor.u32 s22, s5;
	[tilespmem:s11+$0x12160] =	vst.add.f32.msk $0xffff, v3  }
0x271: {  	s5 =	sadd.s32 s7, s14;
	s14 =	sor.u32 s22, s0;
	v3 =	vld [tilespmem:s12+$0x170]  }
0x272: {  	v6 =	vld [tilespmem:s16+$0x110]  }
0x273: {  	v7 =	vld [tilespmem:s17+$0x100]  }
0x274: {  	[tilespmem:s6+$0x12120] =	vst.add.f32.msk $0xffff, v5  }
0x275: {  	s0 =	sor.u32 s22, s5;
	v8 =	vld [tilespmem:s14+$0x150]  }
0x276: {  	v5 =	vld [tilespmem:s0+$0x140]  }
0x277: {  	[tilespmem:s13+$0x12130] =	vst.add.f32.msk $0xffff, v4  }
0x278: {  	[tilespmem:s12+$0x12170] =	vst.add.f32.msk $0xffff, v3  }
0x279: {  	[tilespmem:s17+$0x12100] =	vst.add.f32.msk $0xffff, v7  }
0x27a: {  	[tilespmem:s16+$0x12110] =	vst.add.f32.msk $0xffff, v6  }
0x27b: {  	[tilespmem:s14+$0x12150] =	vst.add.f32.msk $0xffff, v8  }
0x27c: {  	[tilespmem:s0+$0x12140] =	vst.add.f32.msk $0xffff, v5  }
0x27d: {  	s2 =	simm.s32 $0x12100;
	s22 =	simm.s32 $0xB;
	s0 =	rddreg [dreg:$0xe]  }
0x27e: {  	[hbm4b:s0+s3] =	stream.linear.scatter [tilespmem:s2], [sflag:$0x5], $0x6000, $0x38;
	[tilespmem:$0x1E100] =	vst v63  }
0x27f: {  	_ =	swait.ge [sflag:s22], $0x40  }
0x280: {  	[sflag:s22] =	ssyncset.done $0x0  }
0x281: {  	[sflag:s22] =	ssyncadd.s32 $0xFFFFFFC0  }
0x282: {  	_ =	swait.ge [sflag:s28], $0x6000  }
0x283: {  	[sflag:s28] =	ssyncset.done $0x0  }
0x284: {  	[sflag:s28] =	ssyncadd.s32 $0xFFFFA000  }
0x285: {  	v3 =	vld [tilespmem:$0xC0];
	_ =	sdelay $0x4  }
0x286: {  	v4 =	vshrl.u32 v3, $0x3  }
0x287: {  	v4 =	vmul.u32 $0x30, v4  }
0x288: {  	v3 =	vand.u32 $0x7, v3  }
0x289: {  	v3 =	vor.u32 v3, v4  }
0x28a: {  	v4 =	vperm.xlane v3, v0;
	_ =	sdelay $0x1  }
0x28b: {  	v4 =	vadd.s32 v1, v4;
	_ =	sdelay $0x3  }
0x28c: {  	s23 =	simm.s32 $0xC100;
	v3 =	vperm.xlane v3, v2  }
0x28d: {  	[tilespmem:s23], [sflag:$0x1] =	stream.indirect_vreg.gather [hbm4b:s1+s3], $0x80, v4, vm0, $0xb8;
	[tilespmem:$0x1E100] =	vst v63  }
0x28e: {  	s24 =	simm.s32 $0xC900;
	v3 =	vadd.s32 v1, v3  }
0x28f: {  	[tilespmem:s24], [sflag:$0x1] =	stream.indirect_vreg.gather [hbm4b:s8+s3], $0x80, v4, vm0, $0xb8;
	[tilespmem:$0x1E100] =	vst v63  }
0x290: {  	s25 =	simm.s32 $0xD100  }
0x291: {  	[tilespmem:s25], [sflag:$0x1] =	stream.indirect_vreg.gather [hbm4b:s9+s3], $0x80, v4, vm0, $0xb8;
	[tilespmem:$0x1E100] =	vst v63  }
0x292: {  	s29 =	simm.s32 $0xD900  }
0x293: {  	[tilespmem:s29], [sflag:$0x1] =	stream.indirect_vreg.gather [hbm4b:s1+s3], $0x80, v3, vm0, $0xb8;
	[tilespmem:$0x1E100] =	vst v63  }
0x294: {  	s30 =	simm.s32 $0xE100  }
0x295: {  	[tilespmem:s30], [sflag:$0x1] =	stream.indirect_vreg.gather [hbm4b:s8+s3], $0x80, v3, vm0, $0xb8;
	[tilespmem:$0x1E100] =	vst v63  }
0x296: {  	s2 =	simm.s32 $0xE900  }
0x297: {  	[tilespmem:s2], [sflag:$0x1] =	stream.indirect_vreg.gather [hbm4b:s9+s3], $0x80, v3, vm0, $0xb8;
	[tilespmem:$0x1E100] =	vst v63  }
0x298: {  	v3 =	vld [tilespmem:$0xD0];
	_ =	sdelay $0x4  }
0x299: {  	v4 =	vshrl.u32 v3, $0x3  }
0x29a: {  	v4 =	vmul.u32 $0x30, v4  }
0x29b: {  	v3 =	vand.u32 $0x7, v3  }
0x29c: {  	v3 =	vor.u32 v3, v4  }
0x29d: {  	v4 =	vperm.xlane v3, v0  }
0x29e: {  	s4 =	simm.s32 $0xF100;
	s5 =	simm.s32 $0xF900;
	s21 =	simm.s32 $0x0  }
0x29f: {  	s6 =	simm.s32 $0x10100;
	s7 =	simm.s32 $0x10900;
	s16 =	sor.u32 $0x7, s21;
	v4 =	vadd.s32 v1, v4  }
0x2a0: {  	s10 =	simm.s32 $0x11100;
	s13 =	smul.u32 $0xAAAB, s21;
	s15 =	sand.u32 $0xFFFF, s16  }
0x2a1: {  	s11 =	simm.s32 $0x11900;
	s15 =	smul.u32 $0xAAAB, s15;
	s0 =	sor.u32 $0x1, s21  }
0x2a2: {  	s12 =	simm.s32 $0x3;
	s17 =	sand.u32 $0xFFFF, s0;
	s24 =	sshrl.u32 s13, $0x18  }
0x2a3: {  	s15 =	sshrl.u32 s15, $0x11;
	s23 =	sshrl.u32 s13, $0x15;
	s29 =	smul.u32 $0x6000, s24;
	v3 =	vperm.xlane v3, v2  }
0x2a4: {  	[tilespmem:s4], [sflag:$0x1] =	stream.indirect_vreg.gather [hbm4b:s1+s3], $0x80, v4, vm0, $0xb8;
	[tilespmem:$0x1E100] =	vst v63  }
0x2a5: {  	s15 =	sand.u32 $0x30, s15;
	s30 =	smul.u32 $0x30, s23;
	s2 =	sor.u32 $0x2, s21;
	v3 =	vadd.s32 v1, v3  }
0x2a6: {  	[tilespmem:s5], [sflag:$0x1] =	stream.indirect_vreg.gather [hbm4b:s8+s3], $0x80, v4, vm0, $0xb8;
	[tilespmem:$0x1E100] =	vst v63  }
0x2a7: {  	s19 =	sand.u32 $0xFFFF, s2;
	s5 =	sshrl.u32 s13, $0xE;
	s13 =	smul.u32 $0xAAAB, s17  }
0x2a8: {  	[tilespmem:s6], [sflag:$0x1] =	stream.indirect_vreg.gather [hbm4b:s9+s3], $0x80, v4, vm0, $0xb8;
	[tilespmem:$0x1E100] =	vst v63  }
0x2a9: {  	s19 =	smul.u32 $0xAAAB, s19;
	s4 =	sor.u32 $0x3, s21;
	s13 =	sshrl.u32 s13, $0x11  }
0x2aa: {  	[tilespmem:s7], [sflag:$0x1] =	stream.indirect_vreg.gather [hbm4b:s1+s3], $0x80, v3, vm0, $0xb8;
	[tilespmem:$0x1E100] =	vst v63  }
0x2ab: {  	s5 =	sand.u32 $0x380, s5;
	s13 =	sand.u32 $0x30, s13;
	s7 =	sor.u32 $0x5, s21  }
0x2ac: {  	s6 =	sor.u32 $0x4, s21;
	s0 =	sadd.s32 s13, s0;
	s18 =	sand.u32 $0xFFFF, s7  }
0x2ad: {  	[tilespmem:s10], [sflag:$0x1] =	stream.indirect_vreg.gather [hbm4b:s8+s3], $0x80, v3, vm0, $0xb8;
	[tilespmem:$0x1E100] =	vst v63  }
0x2ae: {  	s0 =	sshll.u32 s0, $0x7;
	s10 =	sand.u32 $0xFFFF, s4;
	s18 =	smul.u32 $0xAAAB, s18  }
0x2af: {  	s25 =	sand.u32 $0xFFFF, s6;
	s0 =	sand.u32 $0x1C00, s0;
	s10 =	smul.u32 $0xAAAB, s10  }
0x2b0: {  	[tilespmem:s11], [sflag:$0x1] =	stream.indirect_vreg.gather [hbm4b:s9+s3], $0x80, v3, vm0, $0xb8;
	[tilespmem:$0x1E100] =	vst v63  }
0x2b1: {  	s11 =	sor.u32 $0x6, s21;
	s17 =	sshrl.u32 s18, $0x11;
	s18 =	sadd.s32 $0x18000, s29  }
0x2b2: {  	_ =	swait.ge [sflag:s12], $0x6000;
	s22 =	sand.u32 $0xFFFF, s11;
	s10 =	sshrl.u32 s10, $0x11  }
0x2b3: {  	[sflag:s12] =	ssyncset.done $0x0;
	s10 =	sand.u32 $0x30, s10;
	s14 =	smul.u32 $0xAAAB, s22  }
0x2b4: {  	s22 =	sshrl.u32 s29, $0x2;
	[sflag:s12] =	ssyncadd.s32 $0xFFFFA000;
	s4 =	sadd.s32 s10, s4  }
0x2b5: {  	s12 =	sadd.s32 s15, s16;
	s10 =	smul.u32 $0xAAAB, s25;
	s16 =	sshrl.u32 s19, $0x11  }
0x2b6: {  	s19 =	ssub.s32 $0x0, s30;
	s4 =	sshll.u32 s4, $0x7;
	s12 =	sshll.u32 s12, $0x7  }
0x2b7: {  	s14 =	sshrl.u32 s14, $0x11;
	s13 =	sand.u32 $0x30, s16;
	s16 =	sand.u32 $0x30, s17  }
0x2b8: {  	s12 =	sand.u32 $0x1C00, s12;
	s4 =	sand.u32 $0x1C00, s4;
	s14 =	sand.u32 $0x30, s14  }
0x2b9: {  	s10 =	sshrl.u32 s10, $0x11;
	s2 =	sadd.s32 s13, s2;
	s7 =	sadd.s32 s16, s7  }
0x2ba: {  	s13 =	sshrl.u32 s18, $0x2;
	s11 =	sadd.s32 s14, s11;
	s10 =	sand.u32 $0x30, s10  }
0x2bb: {  	s2 =	sshll.u32 s2, $0x7;
	s7 =	sshll.u32 s7, $0x7;
	s13 =	sor.u32 $0x100, s13  }
0x2bc: {  	s14 =	sadd.s32 $0x18100, s22;
	s11 =	sshll.u32 s11, $0x7;
	s6 =	sadd.s32 s10, s6  }
0x2bd: {  	s10 =	sshll.u32 s19, $0x7;
	s2 =	sand.u32 $0x1C00, s2;
	s7 =	sand.u32 $0x1C00, s7  }
0x2be: {  	s15 =	sadd.s32 s12, s13;
	s24 =	sadd.s32 s0, s13;
	s0 =	sadd.s32 s0, s14  }
0x2bf: {  	s30 =	sadd.s32 s12, s14;
	s6 =	sshll.u32 s6, $0x7;
	s10 =	sand.u32 $0xFF80, s10  }
0x2c0: {  	s11 =	sand.u32 $0x1C00, s11;
	s23 =	sadd.s32 s2, s13;
	s17 =	sadd.s32 s5, s24  }
0x2c1: {  	s0 =	sadd.s32 s5, s0;
	s2 =	sadd.s32 s2, s14;
	s25 =	sadd.s32 s7, s14;
	v4 =	vld [tilespmem:s17+$0x10]  }
0x2c2: {  	s7 =	sadd.s32 s7, s13;
	s6 =	sand.u32 $0x1C00, s6;
	s16 =	sadd.s32 s5, s23  }
0x2c3: {  	s19 =	sadd.s32 s5, s25;
	s29 =	sadd.s32 s11, s13;
	s7 =	sadd.s32 s5, s7;
	v3 =	vld [tilespmem:s16+$0x20]  }
0x2c4: {  	s2 =	sadd.s32 s5, s2;
	s22 =	sadd.s32 s10, s13;
	s11 =	sadd.s32 s11, s14  }
0x2c5: {  	s0 =	sor.u32 $0x10, s0;
	s16 =	sadd.s32 s4, s14;
	s4 =	sadd.s32 s4, s13;
	v5 =	vld [tilespmem:s7+$0x50]  }
0x2c6: {  	s10 =	sadd.s32 s10, s14;
	s18 =	sadd.s32 s6, s13;
	s4 =	sadd.s32 s5, s4;
	[tilespmem:s0+$0x0] =	vst.add.f32.msk $0xffff, v4  }
0x2c7: {  	s2 =	sor.u32 $0x20, s2;
	s17 =	sadd.s32 s5, s29;
	s23 =	sadd.s32 s6, s14;
	v4 =	vld [tilespmem:s4+$0x30]  }
0x2c8: {  	s24 =	sor.u32 $0x50, s19;
	s29 =	sadd.s32 s5, s30;
	s7 =	sadd.s32 s5, s15;
	[tilespmem:s2+$0x0] =	vst.add.f32.msk $0xffff, v3  }
0x2c9: {  	s30 =	sadd.s32 s5, s11;
	s14 =	sadd.s32 s5, s10;
	s25 =	sadd.s32 s5, s16;
	v3 =	vld [tilespmem:s17+$0x60]  }
0x2ca: {  	s6 =	sadd.s32 s5, s18;
	s10 =	sor.u32 $0x70, s29;
	s2 =	sadd.s32 s5, s22;
	[tilespmem:s24+$0x0] =	vst.add.f32.msk $0xffff, v5  }
0x2cb: {  	s15 =	sor.u32 $0x60, s30;
	s12 =	sor.u32 $0x30, s25;
	s5 =	sadd.s32 s5, s23;
	v5 =	vld [tilespmem:s2+$0x0]  }
.LBB2_12:
0x2cc: {  	s21 =	sadd.s32 $0x8, s21  }
0x2cd: {  	v6 =	vld [tilespmem:s6+$0x40];
	s0 =	sor.u32 $0x40, s5;
	s13 =	sor.u32 $0x1, s21;
	s5 =	sor.u32 $0x2, s21  }
0x2ce: {  	s2 =	sor.u32 $0x3, s21;
	v7 =	vld [tilespmem:s7+$0x70];
	s6 =	sor.u32 $0x4, s21;
	s7 =	sor.u32 $0x5, s21  }
0x2cf: {  	s4 =	sor.u32 $0x6, s21;
	s11 =	smul.u32 $0xAAAB, s21;
	s16 =	sor.u32 $0x7, s21;
	[tilespmem:s12+$0x0] =	vst.add.f32.msk $0xffff, v4  }
0x2d0: {  	p0 =	slt.u32 s21, $0x5F8;
	s12 =	sand.u32 $0xFFFF, s2;
	s17 =	sand.u32 $0xFFFF, s4;
	[tilespmem:s15+$0x0] =	vst.add.f32.msk $0xffff, v3  }
0x2d1: {  	s18 =	sand.u32 $0xFFFF, s16;
	s23 =	sand.u32 $0xFFFF, s6;
	s15 =	sand.u32 $0xFFFF, s13;
	[tilespmem:s14+$0x0] =	vst.add.f32.msk $0xffff, v5  }
0x2d2: {  	s19 =	sshrl.u32 s11, $0x18;
	s12 =	smul.u32 $0xAAAB, s12;
	s14 =	sshrl.u32 s11, $0x15;
	[tilespmem:s0+$0x0] =	vst.add.f32.msk $0xffff, v6  }
0x2d3: {  	s18 =	smul.u32 $0xAAAB, s18;
	s0 =	sand.u32 $0xFFFF, s5;
	[tilespmem:s10+$0x0] =	vst.add.f32.msk $0xffff, v7;
	s10 =	sshrl.u32 s11, $0xE  }
0x2d4: {  	s11 =	sshrl.u32 s12, $0x11;
	s12 =	sand.u32 $0xFFFF, s7;
	s0 =	smul.u32 $0xAAAB, s0  }
0x2d5: {  	s22 =	sand.u32 $0x380, s10;
	s24 =	smul.u32 $0xAAAB, s12;
	s10 =	sshrl.u32 s18, $0x11  }
0x2d6: {  	s11 =	sand.u32 $0x30, s11;
	s12 =	smul.u32 $0xAAAB, s17;
	s10 =	sand.u32 $0x30, s10  }
0x2d7: {  	s2 =	sadd.s32 s11, s2;
	s11 =	smul.u32 $0xAAAB, s15;
	s10 =	sadd.s32 s10, s16  }
0x2d8: {  	s15 =	smul.u32 $0xAAAB, s23;
	s2 =	sshll.u32 s2, $0x7;
	s10 =	sshll.u32 s10, $0x7  }
0x2d9: {  	s0 =	sshrl.u32 s0, $0x11;
	s16 =	sshrl.u32 s12, $0x11;
	s10 =	sand.u32 $0x1C00, s10  }
0x2da: {  	s11 =	sshrl.u32 s11, $0x11;
	s12 =	sand.u32 $0x1C00, s2;
	s2 =	sand.u32 $0x30, s16  }
0x2db: {  	s16 =	smul.u32 $0x6000, s19;
	s11 =	sand.u32 $0x30, s11;
	s2 =	sadd.s32 s2, s4  }
0x2dc: {  	s4 =	smul.u32 $0x30, s14;
	s11 =	sadd.s32 s11, s13;
	s13 =	sshrl.u32 s15, $0x11  }
0x2dd: {  	s0 =	sand.u32 $0x30, s0;
	s11 =	sshll.u32 s11, $0x7;
	s13 =	sand.u32 $0x30, s13  }
0x2de: {  	s0 =	sadd.s32 s0, s5;
	s14 =	sshrl.u32 s24, $0x11;
	s2 =	sshll.u32 s2, $0x7  }
0x2df: {  	s0 =	sshll.u32 s0, $0x7;
	s15 =	sadd.s32 $0x18000, s16;
	s5 =	sand.u32 $0x30, s14  }
0x2e0: {  	s0 =	sand.u32 $0x1C00, s0;
	s5 =	sadd.s32 s5, s7;
	s6 =	sadd.s32 s13, s6  }
0x2e1: {  	s4 =	ssub.s32 s21, s4;
	s5 =	sshll.u32 s5, $0x7;
	s6 =	sshll.u32 s6, $0x7  }
0x2e2: {  	s7 =	sshrl.u32 s15, $0x2;
	s4 =	sshll.u32 s4, $0x7;
	s5 =	sand.u32 $0x1C00, s5  }
0x2e3: {  	s2 =	sand.u32 $0x1C00, s2;
	s13 =	sshrl.u32 s16, $0x2;
	s15 =	sand.u32 $0x1C00, s6  }
0x2e4: {  	s7 =	sor.u32 $0x100, s7;
	s4 =	sand.u32 $0xFF80, s4;
	s13 =	sadd.s32 $0x18100, s13  }
0x2e5: {  	s17 =	sadd.s32 s0, s7;
	s6 =	sand.u32 $0x1C00, s11;
	s11 =	sadd.s32 s10, s7  }
0x2e6: {  	s14 =	sadd.s32 s6, s7;
	s6 =	sadd.s32 s6, s13;
	s16 =	sadd.s32 s15, s7  }
0x2e7: {  	s0 =	sadd.s32 s0, s13;
	s17 =	sadd.s32 s22, s17;
	s6 =	sadd.s32 s22, s6  }
0x2e8: {  	s18 =	sadd.s32 s12, s13;
	s19 =	sadd.s32 s5, s13;
	s5 =	sadd.s32 s5, s7  }
0x2e9: {  	s10 =	sadd.s32 s10, s13;
	s14 =	sadd.s32 s22, s14;
	v3 =	vld [tilespmem:s17+$0x20];
	s17 =	sadd.s32 s22, s19  }
0x2ea: {  	s19 =	sadd.s32 s2, s7;
	v4 =	vld [tilespmem:s14+$0x10];
	s14 =	sadd.s32 s12, s7;
	s17 =	sor.u32 $0x50, s17  }
0x2eb: {  	s5 =	sadd.s32 s22, s5;
	s0 =	sadd.s32 s22, s0;
	s12 =	sadd.s32 s22, s18  }
0x2ec: {  	s0 =	sor.u32 $0x20, s0;
	s12 =	sor.u32 $0x30, s12;
	v5 =	vld [tilespmem:s5+$0x50];
	s5 =	sadd.s32 s22, s10  }
0x2ed: {  	s2 =	sadd.s32 s2, s13;
	s18 =	sor.u32 $0x10, s6;
	s10 =	sor.u32 $0x70, s5  }
0x2ee: {  	s6 =	sadd.s32 s22, s16;
	s5 =	sadd.s32 s22, s19;
	[tilespmem:s0+$0x0] =	vst.add.f32.msk $0xffff, v3;
	s0 =	sadd.s32 s22, s14  }
.Ltmp5:
0x2ef: {  	s14 =	sadd.s32 s4, s7;
	s7 =	sadd.s32 s22, s11;
	v3 =	vld [tilespmem:s5+$0x60];
	(pc) =	sbr.rel @p0 .LBB2_12-.Ltmp5, $4  }
0x2f0: {  	s2 =	sadd.s32 s22, s2;
	s4 =	sadd.s32 s4, s13;
	s11 =	sadd.s32 s22, s14;
	[tilespmem:s18+$0x0] =	vst.add.f32.msk $0xffff, v4  }
0x2f1: {  	s14 =	sadd.s32 s22, s4;
	v4 =	vld [tilespmem:s0+$0x30];
	s0 =	sadd.s32 s15, s13  }
0x2f2: {  	s5 =	sadd.s32 s22, s0;
	[tilespmem:s17+$0x0] =	vst.add.f32.msk $0xffff, v5  }
0x2f3: {  	s15 =	sor.u32 $0x60, s2;
	v5 =	vld [tilespmem:s11+$0x0]  }
0x2f4: {  	v6 =	vld [tilespmem:s6+$0x40]  }
0x2f5: {  	v7 =	vld [tilespmem:s7+$0x70]  }
0x2f6: {  	[tilespmem:s15+$0x0] =	vst.add.f32.msk $0xffff, v3  }
0x2f7: {  	[tilespmem:s12+$0x0] =	vst.add.f32.msk $0xffff, v4  }
0x2f8: {  	s0 =	sor.u32 $0x40, s5;
	[tilespmem:s14+$0x0] =	vst.add.f32.msk $0xffff, v5  }
0x2f9: {  	[tilespmem:s0+$0x0] =	vst.add.f32.msk $0xffff, v6  }
0x2fa: {  	[tilespmem:s10+$0x0] =	vst.add.f32.msk $0xffff, v7  }
0x2fb: {  	s2 =	simm.s32 $0x18100;
	s0 =	rddreg [dreg:$0xf]  }
0x2fc: {  	[hbm4b:s0+s3] =	stream.linear.scatter [tilespmem:s2], [sflag:$0x6], $0x6000, $0x38;
	[tilespmem:$0x1E100] =	vst v63  }
0x2fd: {  	_ =	swait.ge [sflag:s31], $0x6000  }
0x2fe: {  	[sflag:s31] =	ssyncset.done $0x0  }
0x2ff: {  	[sflag:s31] =	ssyncadd.s32 $0xFFFFA000  }
0x300: {  	v3 =	vld [tilespmem:$0xE0];
	_ =	sdelay $0x4  }
0x301: {  	v4 =	vshrl.u32 v3, $0x3  }
0x302: {  	v4 =	vmul.u32 $0x30, v4  }
0x303: {  	v3 =	vand.u32 $0x7, v3  }
0x304: {  	v3 =	vor.u32 v3, v4  }
0x305: {  	v4 =	vperm.xlane v3, v0;
	_ =	sdelay $0x1  }
0x306: {  	v4 =	vadd.s32 v1, v4;
	_ =	sdelay $0x3  }
0x307: {  	s15 =	simm.s32 $0x12100;
	v3 =	vperm.xlane v3, v2  }
0x308: {  	[tilespmem:s15], [sflag:$0x2] =	stream.indirect_vreg.gather [hbm4b:s1+s3], $0x80, v4, vm0, $0xb8;
	[tilespmem:$0x1E100] =	vst v63  }
0x309: {  	s16 =	simm.s32 $0x12900;
	v3 =	vadd.s32 v1, v3  }
0x30a: {  	[tilespmem:s16], [sflag:$0x2] =	stream.indirect_vreg.gather [hbm4b:s8+s3], $0x80, v4, vm0, $0xb8;
	[tilespmem:$0x1E100] =	vst v63  }
0x30b: {  	s17 =	simm.s32 $0x13100  }
0x30c: {  	[tilespmem:s17], [sflag:$0x2] =	stream.indirect_vreg.gather [hbm4b:s9+s3], $0x80, v4, vm0, $0xb8;
	[tilespmem:$0x1E100] =	vst v63  }
0x30d: {  	s18 =	simm.s32 $0x13900  }
0x30e: {  	[tilespmem:s18], [sflag:$0x2] =	stream.indirect_vreg.gather [hbm4b:s1+s3], $0x80, v3, vm0, $0xb8;
	[tilespmem:$0x1E100] =	vst v63  }
0x30f: {  	s19 =	simm.s32 $0x14100  }
0x310: {  	[tilespmem:s19], [sflag:$0x2] =	stream.indirect_vreg.gather [hbm4b:s8+s3], $0x80, v3, vm0, $0xb8;
	[tilespmem:$0x1E100] =	vst v63  }
0x311: {  	s21 =	simm.s32 $0x14900  }
0x312: {  	[tilespmem:s21], [sflag:$0x2] =	stream.indirect_vreg.gather [hbm4b:s9+s3], $0x80, v3, vm0, $0xb8;
	[tilespmem:$0x1E100] =	vst v63  }
0x313: {  	v3 =	vld [tilespmem:$0xF0];
	_ =	sdelay $0x4  }
0x314: {  	v4 =	vshrl.u32 v3, $0x3  }
0x315: {  	v4 =	vmul.u32 $0x30, v4  }
0x316: {  	s22 =	simm.s32 $0x15100;
	s23 =	simm.s32 $0x15900;
	v3 =	vand.u32 $0x7, v3  }
0x317: {  	s24 =	simm.s32 $0x16100;
	s25 =	simm.s32 $0x16900;
	s21 =	simm.s32 $0x0;
	v3 =	vor.u32 v3, v4  }
0x318: {  	s29 =	simm.s32 $0x17100;
	s30 =	simm.s32 $0x17900;
	s2 =	sor.u32 $0x3, s21;
	v4 =	vperm.xlane v3, v0  }
0x319: {  	s4 =	sor.u32 $0x2, s21;
	s12 =	smul.u32 $0xAAAB, s21;
	s17 =	sand.u32 $0xFFFF, s2  }
0x31a: {  	s11 =	sor.u32 $0x6, s21;
	s19 =	sand.u32 $0xFFFF, s4;
	s5 =	smul.u32 $0xAAAB, s17;
	v4 =	vadd.s32 v1, v4  }
0x31b: {  	s15 =	simm.s32 $0x1;
	s13 =	sand.u32 $0xFFFF, s11;
	s7 =	smul.u32 $0xAAAB, s19  }
0x31c: {  	s6 =	sor.u32 $0x1, s21;
	s13 =	smul.u32 $0xAAAB, s13;
	s5 =	sshrl.u32 s5, $0x11  }
0x31d: {  	s18 =	sor.u32 $0x4, s21;
	s17 =	sshrl.u32 s12, $0x15;
	s5 =	sand.u32 $0x30, s5  }
0x31e: {  	s7 =	sshrl.u32 s7, $0x11;
	s13 =	sshrl.u32 s13, $0x11;
	s0 =	sadd.s32 s5, s2;
	v3 =	vperm.xlane v3, v2  }
0x31f: {  	[tilespmem:s22], [sflag:$0x2] =	stream.indirect_vreg.gather [hbm4b:s1+s3], $0x80, v4, vm0, $0xb8;
	[tilespmem:$0x1E100] =	vst v63  }
0x320: {  	s13 =	sand.u32 $0x30, s13;
	s0 =	sshll.u32 s0, $0x7;
	v3 =	vadd.s32 v1, v3;
	s22 =	sor.u32 $0x5, s21  }
0x321: {  	[tilespmem:s23], [sflag:$0x2] =	stream.indirect_vreg.gather [hbm4b:s8+s3], $0x80, v4, vm0, $0xb8;
	[tilespmem:$0x1E100] =	vst v63  }
0x322: {  	s11 =	sadd.s32 s13, s11;
	s0 =	sand.u32 $0x1C00, s0;
	s23 =	sand.u32 $0xFFFF, s22  }
0x323: {  	[tilespmem:s24], [sflag:$0x2] =	stream.indirect_vreg.gather [hbm4b:s9+s3], $0x80, v4, vm0, $0xb8;
	[tilespmem:$0x1E100] =	vst v63  }
0x324: {  	s14 =	smul.u32 $0xAAAB, s23;
	s23 =	sshrl.u32 s12, $0xE;
	s24 =	sand.u32 $0x30, s7  }
0x325: {  	[tilespmem:s25], [sflag:$0x2] =	stream.indirect_vreg.gather [hbm4b:s1+s3], $0x80, v3, vm0, $0xb8;
	[tilespmem:$0x1E100] =	vst v63  }
0x326: {  	s4 =	sadd.s32 s24, s4;
	s14 =	sshrl.u32 s14, $0x11;
	s25 =	sand.u32 $0xFFFF, s6  }
0x327: {  	s14 =	sand.u32 $0x30, s14;
	s4 =	sshll.u32 s4, $0x7;
	s7 =	smul.u32 $0xAAAB, s25  }
0x328: {  	[tilespmem:s29], [sflag:$0x2] =	stream.indirect_vreg.gather [hbm4b:s8+s3], $0x80, v3, vm0, $0xb8;
	[tilespmem:$0x1E100] =	vst v63  }
0x329: {  	s10 =	sadd.s32 s14, s22;
	s22 =	sshll.u32 s11, $0x7;
	s29 =	sand.u32 $0xFFFF, s18  }
0x32a: {  	s4 =	sand.u32 $0x1C00, s4;
	s5 =	smul.u32 $0xAAAB, s29;
	s7 =	sshrl.u32 s7, $0x11  }
0x32b: {  	[tilespmem:s30], [sflag:$0x2] =	stream.indirect_vreg.gather [hbm4b:s9+s3], $0x80, v3, vm0, $0xb8;
	[tilespmem:$0x1E100] =	vst v63  }
0x32c: {  	s30 =	sor.u32 $0x7, s21;
	s7 =	sand.u32 $0x30, s7;
	_ =	swait.ge [sflag:s15], $0x6000  }
0x32d: {  	s16 =	sand.u32 $0xFFFF, s30;
	s5 =	sshrl.u32 s5, $0x11;
	s2 =	sadd.s32 s7, s6  }
0x32e: {  	s7 =	smul.u32 $0x30, s17;
	s6 =	sand.u32 $0x1C00, s22;
	s5 =	sand.u32 $0x30, s5  }
0x32f: {  	s14 =	smul.u32 $0xAAAB, s16;
	s5 =	sadd.s32 s5, s18;
	s18 =	sshrl.u32 s12, $0x18  }
0x330: {  	s22 =	sand.u32 $0x380, s23;
	[sflag:s15] =	ssyncset.done $0x0;
	s19 =	smul.u32 $0x1800, s18  }
0x331: {  	s2 =	sshll.u32 s2, $0x7;
	[sflag:s15] =	ssyncadd.s32 $0xFFFFA000;
	s7 =	ssub.s32 $0x0, s7  }
0x332: {  	s2 =	sand.u32 $0x1C00, s2;
	s24 =	sshrl.u32 s14, $0x11;
	s6 =	sadd.s32 s6, s19  }
0x333: {  	s7 =	sshll.u32 s7, $0x7;
	s5 =	sshll.u32 s5, $0x7;
	s25 =	sor.u32 s22, s6  }
0x334: {  	s11 =	sand.u32 $0x30, s24;
	s7 =	sand.u32 $0xFF80, s7;
	s5 =	sand.u32 $0x1C00, s5;
	v3 =	vld [tilespmem:s25+$0x160]  }
0x335: {  	s11 =	sadd.s32 s11, s30;
	s4 =	sadd.s32 s4, s19;
	s2 =	sadd.s32 s2, s19  }
0x336: {  	s0 =	sadd.s32 s0, s19;
	s6 =	sor.u32 s22, s4;
	s29 =	sshll.u32 s11, $0x7  }
0x337: {  	s30 =	sshll.u32 s10, $0x7;
	s13 =	sor.u32 s22, s0;
	s4 =	sand.u32 $0x1C00, s29;
	v5 =	vld [tilespmem:s6+$0x120]  }
0x338: {  	s7 =	sadd.s32 s7, s19;
	s0 =	sand.u32 $0x1C00, s30;
	v4 =	vld [tilespmem:s13+$0x130];
	s4 =	sadd.s32 s4, s19  }
0x339: {  	s5 =	sadd.s32 s5, s19;
	s0 =	sadd.s32 s0, s19;
	s12 =	sor.u32 s22, s4;
	[tilespmem:s25+$0xC160] =	vst.add.f32.msk $0xffff, v3  }
0x33a: {  	s17 =	sor.u32 s22, s7;
	s16 =	sor.u32 s22, s2;
	s14 =	sor.u32 s22, s0;
	v3 =	vld [tilespmem:s12+$0x170]  }
.LBB2_14:
0x33b: {  	s21 =	sadd.s32 $0x8, s21;
	v6 =	vld [tilespmem:s16+$0x110];
	s0 =	sor.u32 s22, s5  }
0x33c: {  	s5 =	sor.u32 $0x1, s21;
	s2 =	sor.u32 $0x2, s21;
	s4 =	sor.u32 $0x3, s21;
	v7 =	vld [tilespmem:s17+$0x100]  }
0x33d: {  	s7 =	sor.u32 $0x4, s21;
	s10 =	sor.u32 $0x5, s21;
	s15 =	sor.u32 $0x6, s21;
	[tilespmem:s6+$0xC120] =	vst.add.f32.msk $0xffff, v5  }
0x33e: {  	s11 =	smul.u32 $0xAAAB, s21;
	s18 =	sand.u32 $0xFFFF, s15;
	s6 =	sor.u32 $0x7, s21;
	v5 =	vld [tilespmem:s0+$0x140]  }
0x33f: {  	s19 =	sand.u32 $0xFFFF, s5;
	s22 =	sand.u32 $0xFFFF, s4;
	s23 =	sand.u32 $0xFFFF, s10;
	v8 =	vld [tilespmem:s14+$0x150]  }
0x340: {  	s25 =	sand.u32 $0xFFFF, s2;
	s24 =	sshrl.u32 s11, $0x18;
	s22 =	smul.u32 $0xAAAB, s22;
	[tilespmem:s13+$0xC130] =	vst.add.f32.msk $0xffff, v4  }
0x341: {  	s18 =	smul.u32 $0xAAAB, s18;
	s29 =	sand.u32 $0xFFFF, s6;
	s13 =	sshrl.u32 s11, $0x15;
	[tilespmem:s17+$0xC100] =	vst.add.f32.msk $0xffff, v7  }
0x342: {  	s30 =	sand.u32 $0xFFFF, s7;
	s29 =	smul.u32 $0xAAAB, s29;
	s17 =	sshrl.u32 s22, $0x11;
	[tilespmem:s16+$0xC110] =	vst.add.f32.msk $0xffff, v6  }
0x343: {  	s11 =	sshrl.u32 s11, $0xE;
	s13 =	smul.u32 $0x30, s13;
	s16 =	sand.u32 $0x30, s17;
	[tilespmem:s12+$0xC170] =	vst.add.f32.msk $0xffff, v3  }
0x344: {  	p0 =	slt.u32 s21, $0x5F8;
	s12 =	smul.u32 $0xAAAB, s25;
	s4 =	sadd.s32 s16, s4;
	[tilespmem:s14+$0xC150] =	vst.add.f32.msk $0xffff, v8  }
0x345: {  	s13 =	ssub.s32 s21, s13;
	s4 =	sshll.u32 s4, $0x7;
	s14 =	smul.u32 $0xAAAB, s23;
	[tilespmem:s0+$0xC140] =	vst.add.f32.msk $0xffff, v5  }
0x346: {  	s22 =	sand.u32 $0x380, s11;
	s11 =	sshrl.u32 s18, $0x11;
	s0 =	sshll.u32 s13, $0x7  }
0x347: {  	s12 =	sshrl.u32 s12, $0x11;
	s13 =	smul.u32 $0xAAAB, s30;
	s14 =	sshrl.u32 s14, $0x11  }
0x348: {  	s16 =	smul.u32 $0xAAAB, s19;
	s0 =	sand.u32 $0xFF80, s0;
	s12 =	sand.u32 $0x30, s12  }
0x349: {  	s4 =	sand.u32 $0x1C00, s4;
	s2 =	sadd.s32 s12, s2;
	s12 =	sand.u32 $0x30, s14  }
0x34a: {  	s11 =	sand.u32 $0x30, s11;
	s14 =	smul.u32 $0x1800, s24;
	s2 =	sshll.u32 s2, $0x7  }
0x34b: {  	s11 =	sadd.s32 s11, s15;
	s15 =	sshrl.u32 s29, $0x11;
	s2 =	sand.u32 $0x1C00, s2  }
0x34c: {  	s11 =	sshll.u32 s11, $0x7;
	s13 =	sshrl.u32 s13, $0x11;
	s2 =	sadd.s32 s2, s14  }
0x34d: {  	s16 =	sshrl.u32 s16, $0x11;
	s10 =	sadd.s32 s12, s10;
	s12 =	sand.u32 $0x30, s15  }
0x34e: {  	s11 =	sand.u32 $0x1C00, s11;
	s15 =	sand.u32 $0x30, s16;
	s13 =	sand.u32 $0x30, s13  }
0x34f: {  	s5 =	sadd.s32 s15, s5;
	s7 =	sadd.s32 s13, s7;
	s11 =	sadd.s32 s11, s14  }
0x350: {  	s5 =	sshll.u32 s5, $0x7;
	s7 =	sshll.u32 s7, $0x7;
	s11 =	sor.u32 s22, s11  }
0x351: {  	s12 =	sadd.s32 s12, s6;
	s5 =	sand.u32 $0x1C00, s5;
	s7 =	sand.u32 $0x1C00, s7;
	v3 =	vld [tilespmem:s11+$0x160]  }
0x352: {  	s6 =	sor.u32 s22, s2;
	s2 =	sshll.u32 s12, $0x7;
	s5 =	sadd.s32 s5, s14  }
.Ltmp6:
0x353: {  	s4 =	sadd.s32 s4, s14;
	s2 =	sand.u32 $0x1C00, s2;
	v5 =	vld [tilespmem:s6+$0x120];
	(pc) =	sbr.rel @p0 .LBB2_14-.Ltmp6, $4  }
0x354: {  	s13 =	sor.u32 s22, s4;
	s4 =	sshll.u32 s10, $0x7;
	s2 =	sadd.s32 s2, s14  }
0x355: {  	s0 =	sadd.s32 s0, s14;
	s4 =	sand.u32 $0x1C00, s4;
	s12 =	sor.u32 s22, s2;
	v4 =	vld [tilespmem:s13+$0x130]  }
0x356: {  	s17 =	sor.u32 s22, s0;
	s0 =	sadd.s32 s4, s14;
	s16 =	sor.u32 s22, s5;
	[tilespmem:s11+$0xC160] =	vst.add.f32.msk $0xffff, v3  }
0x357: {  	s5 =	sadd.s32 s7, s14;
	s14 =	sor.u32 s22, s0;
	v3 =	vld [tilespmem:s12+$0x170]  }
0x358: {  	v6 =	vld [tilespmem:s16+$0x110]  }
0x359: {  	v7 =	vld [tilespmem:s17+$0x100]  }
0x35a: {  	s0 =	sor.u32 s22, s5;
	[tilespmem:s6+$0xC120] =	vst.add.f32.msk $0xffff, v5;
	s21 =	simm.s32 $0x0  }
0x35b: {  	v8 =	vld [tilespmem:s14+$0x150];
	s2 =	simm.s32 $0xC100;
	s4 =	sor.u32 $0x3, s21;
	s5 =	sor.u32 $0x4, s21  }
0x35c: {  	v5 =	vld [tilespmem:s0+$0x140];
	s6 =	sor.u32 $0x5, s21;
	s10 =	smul.u32 $0xAAAB, s21;
	s11 =	sand.u32 $0xFFFF, s4  }
0x35d: {  	s7 =	sor.u32 $0x6, s21;
	[tilespmem:s13+$0xC130] =	vst.add.f32.msk $0xffff, v4;
	s30 =	sand.u32 $0xFFFF, s6;
	s11 =	smul.u32 $0xAAAB, s11  }
0x35e: {  	s25 =	sand.u32 $0xFFFF, s7;
	s29 =	sshrl.u32 s10, $0x18;
	s23 =	smul.u32 $0xAAAB, s30;
	[tilespmem:s12+$0xC170] =	vst.add.f32.msk $0xffff, v3  }
0x35f: {  	s19 =	sand.u32 $0xFFFF, s5;
	s29 =	smul.u32 $0x6000, s29;
	[tilespmem:s17+$0xC100] =	vst.add.f32.msk $0xffff, v7;
	s17 =	sor.u32 $0x7, s21  }
0x360: {  	[tilespmem:s16+$0xC110] =	vst.add.f32.msk $0xffff, v6;
	s16 =	sshrl.u32 s10, $0x15;
	s10 =	sshrl.u32 s10, $0xE;
	s11 =	sshrl.u32 s11, $0x11  }
0x361: {  	[tilespmem:s14+$0xC150] =	vst.add.f32.msk $0xffff, v8;
	s14 =	smul.u32 $0xAAAB, s25;
	s15 =	sand.u32 $0xFFFF, s17;
	s22 =	sand.u32 $0x380, s10  }
0x362: {  	[tilespmem:s0+$0xC140] =	vst.add.f32.msk $0xffff, v5;
	s11 =	sand.u32 $0x30, s11;
	s30 =	smul.u32 $0x30, s16;
	s16 =	sshrl.u32 s23, $0x11  }
0x363: {  	s0 =	rddreg [dreg:$0x10];
	s15 =	smul.u32 $0xAAAB, s15;
	s4 =	sadd.s32 s11, s4  }
0x364: {  	[hbm4b:s0+s3] =	stream.linear.scatter [tilespmem:s2], [sflag:$0x4], $0x6000, $0x38;
	[tilespmem:$0x1E100] =	vst v63  }
0x365: {  	s25 =	sshrl.u32 s14, $0x11;
	s0 =	sor.u32 $0x1, s21;
	s2 =	sor.u32 $0x2, s21  }
0x366: {  	s4 =	sshll.u32 s4, $0x7;
	s13 =	sand.u32 $0x30, s25;
	_ =	swait.ge [sflag:s26], $0x6000  }
0x367: {  	s24 =	sand.u32 $0xFFFF, s0;
	s18 =	sand.u32 $0xFFFF, s2;
	s15 =	sshrl.u32 s15, $0x11  }
0x368: {  	s4 =	sand.u32 $0x1C00, s4;
	s10 =	sand.u32 $0x30, s15;
	s15 =	smul.u32 $0xAAAB, s18  }
0x369: {  	s7 =	sadd.s32 s13, s7;
	[sflag:s26] =	ssyncset.done $0x0;
	s18 =	smul.u32 $0xAAAB, s24  }
0x36a: {  	s24 =	smul.u32 $0xAAAB, s19;
	s7 =	sshll.u32 s7, $0x7;
	s19 =	sshrl.u32 s29, $0x2  }
0x36b: {  	[sflag:s26] =	ssyncadd.s32 $0xFFFFA000;
	s10 =	sadd.s32 s10, s17;
	s17 =	sadd.s32 $0x18000, s29  }
0x36c: {  	s7 =	sand.u32 $0x1C00, s7;
	s13 =	sadd.s32 $0x12100, s19;
	s10 =	sshll.u32 s10, $0x7  }
0x36d: {  	s11 =	sshrl.u32 s18, $0x11;
	s12 =	sshrl.u32 s24, $0x11;
	s15 =	sshrl.u32 s15, $0x11  }
0x36e: {  	s18 =	ssub.s32 $0x0, s30;
	s25 =	sadd.s32 s4, s13;
	s11 =	sand.u32 $0x30, s11  }
0x36f: {  	s10 =	sand.u32 $0x1C00, s10;
	s0 =	sadd.s32 s11, s0;
	s11 =	sand.u32 $0x30, s12  }
0x370: {  	s12 =	sand.u32 $0x30, s15;
	s15 =	sand.u32 $0x30, s16;
	s0 =	sshll.u32 s0, $0x7  }
0x371: {  	s2 =	sadd.s32 s12, s2;
	s5 =	sadd.s32 s11, s5;
	s6 =	sadd.s32 s15, s6  }
0x372: {  	s11 =	sshll.u32 s18, $0x7;
	s12 =	sshrl.u32 s17, $0x2;
	s2 =	sshll.u32 s2, $0x7  }
0x373: {  	s5 =	sshll.u32 s5, $0x7;
	s6 =	sshll.u32 s6, $0x7;
	s11 =	sand.u32 $0xFF80, s11  }
0x374: {  	s15 =	sor.u32 $0x100, s12;
	s0 =	sand.u32 $0x1C00, s0;
	s2 =	sand.u32 $0x1C00, s2  }
0x375: {  	s6 =	sand.u32 $0x1C00, s6;
	s14 =	sand.u32 $0x1C00, s5;
	s12 =	sadd.s32 s0, s15  }
0x376: {  	s16 =	sadd.s32 s10, s15;
	s0 =	sadd.s32 s0, s13;
	s12 =	sadd.s32 s22, s12  }
0x377: {  	s4 =	sadd.s32 s4, s15;
	s30 =	sadd.s32 s7, s15;
	s23 =	sadd.s32 s2, s15;
	v4 =	vld [tilespmem:s12+$0x10]  }
0x378: {  	s10 =	sadd.s32 s10, s13;
	s24 =	sadd.s32 s14, s15;
	s5 =	sadd.s32 s22, s23  }
0x379: {  	s0 =	sadd.s32 s22, s0;
	s29 =	sadd.s32 s6, s13;
	s6 =	sadd.s32 s6, s15;
	v3 =	vld [tilespmem:s5+$0x20]  }
0x37a: {  	s2 =	sadd.s32 s2, s13;
	s10 =	sadd.s32 s22, s10;
	s6 =	sadd.s32 s22, s6  }
0x37b: {  	s19 =	sadd.s32 s22, s30;
	s30 =	sadd.s32 s14, s13;
	s0 =	sor.u32 $0x10, s0;
	v5 =	vld [tilespmem:s6+$0x50]  }
0x37c: {  	s18 =	sadd.s32 s22, s29;
	s2 =	sadd.s32 s22, s2;
	s23 =	sadd.s32 s22, s4;
	[tilespmem:s0+$0x0] =	vst.add.f32.msk $0xffff, v4  }
0x37d: {  	s29 =	sadd.s32 s11, s13;
	s18 =	sor.u32 $0x50, s18;
	s2 =	sor.u32 $0x20, s2;
	v4 =	vld [tilespmem:s23+$0x30]  }
0x37e: {  	s5 =	sadd.s32 s22, s25;
	s6 =	sadd.s32 s22, s24;
	s24 =	sadd.s32 s11, s15;
	[tilespmem:s2+$0x0] =	vst.add.f32.msk $0xffff, v3  }
0x37f: {  	s25 =	sadd.s32 s7, s13;
	s7 =	sadd.s32 s22, s16;
	s14 =	sadd.s32 s22, s29;
	v3 =	vld [tilespmem:s19+$0x60]  }
0x380: {  	s12 =	sor.u32 $0x30, s5;
	s4 =	sadd.s32 s22, s24;
	s0 =	sadd.s32 s22, s25;
	[tilespmem:s18+$0x0] =	vst.add.f32.msk $0xffff, v5  }
0x381: {  	s5 =	sor.u32 $0x70, s10;
	s10 =	sadd.s32 s22, s30;
	v5 =	vld [tilespmem:s4+$0x0];
	s15 =	sor.u32 $0x60, s0  }
.LBB2_16:
0x382: {  	s21 =	sadd.s32 $0x8, s21  }
0x383: {  	v6 =	vld [tilespmem:s6+$0x40];
	s0 =	sor.u32 $0x40, s10;
	s13 =	sor.u32 $0x1, s21;
	s6 =	sor.u32 $0x2, s21  }
0x384: {  	s2 =	sor.u32 $0x3, s21;
	v7 =	vld [tilespmem:s7+$0x70];
	s7 =	sor.u32 $0x4, s21;
	s10 =	sor.u32 $0x5, s21  }
0x385: {  	s4 =	sor.u32 $0x6, s21;
	s11 =	smul.u32 $0xAAAB, s21;
	s16 =	sor.u32 $0x7, s21;
	[tilespmem:s12+$0x0] =	vst.add.f32.msk $0xffff, v4  }
0x386: {  	p0 =	slt.u32 s21, $0x5F8;
	s12 =	sand.u32 $0xFFFF, s2;
	s17 =	sand.u32 $0xFFFF, s4;
	[tilespmem:s15+$0x0] =	vst.add.f32.msk $0xffff, v3  }
0x387: {  	s18 =	sand.u32 $0xFFFF, s16;
	s23 =	sand.u32 $0xFFFF, s7;
	s15 =	sand.u32 $0xFFFF, s13;
	[tilespmem:s14+$0x0] =	vst.add.f32.msk $0xffff, v5  }
0x388: {  	s19 =	sshrl.u32 s11, $0x18;
	s12 =	smul.u32 $0xAAAB, s12;
	s14 =	sshrl.u32 s11, $0x15;
	[tilespmem:s0+$0x0] =	vst.add.f32.msk $0xffff, v6  }
0x389: {  	s18 =	smul.u32 $0xAAAB, s18;
	s0 =	sand.u32 $0xFFFF, s6;
	[tilespmem:s5+$0x0] =	vst.add.f32.msk $0xffff, v7;
	s5 =	sshrl.u32 s11, $0xE  }
0x38a: {  	s11 =	sshrl.u32 s12, $0x11;
	s12 =	sand.u32 $0xFFFF, s10;
	s0 =	smul.u32 $0xAAAB, s0  }
0x38b: {  	s22 =	sand.u32 $0x380, s5;
	s24 =	smul.u32 $0xAAAB, s12;
	s5 =	sshrl.u32 s18, $0x11  }
0x38c: {  	s11 =	sand.u32 $0x30, s11;
	s12 =	smul.u32 $0xAAAB, s17;
	s5 =	sand.u32 $0x30, s5  }
0x38d: {  	s2 =	sadd.s32 s11, s2;
	s11 =	smul.u32 $0xAAAB, s15;
	s5 =	sadd.s32 s5, s16  }
0x38e: {  	s15 =	smul.u32 $0xAAAB, s23;
	s2 =	sshll.u32 s2, $0x7;
	s5 =	sshll.u32 s5, $0x7  }
0x38f: {  	s0 =	sshrl.u32 s0, $0x11;
	s16 =	sshrl.u32 s12, $0x11;
	s5 =	sand.u32 $0x1C00, s5  }
0x390: {  	s11 =	sshrl.u32 s11, $0x11;
	s12 =	sand.u32 $0x1C00, s2;
	s2 =	sand.u32 $0x30, s16  }
0x391: {  	s16 =	smul.u32 $0x6000, s19;
	s11 =	sand.u32 $0x30, s11;
	s2 =	sadd.s32 s2, s4  }
0x392: {  	s4 =	smul.u32 $0x30, s14;
	s11 =	sadd.s32 s11, s13;
	s13 =	sshrl.u32 s15, $0x11  }
0x393: {  	s0 =	sand.u32 $0x30, s0;
	s11 =	sshll.u32 s11, $0x7;
	s13 =	sand.u32 $0x30, s13  }
0x394: {  	s0 =	sadd.s32 s0, s6;
	s14 =	sshrl.u32 s24, $0x11;
	s2 =	sshll.u32 s2, $0x7  }
0x395: {  	s0 =	sshll.u32 s0, $0x7;
	s15 =	sadd.s32 $0x18000, s16;
	s6 =	sand.u32 $0x30, s14  }
0x396: {  	s0 =	sand.u32 $0x1C00, s0;
	s6 =	sadd.s32 s6, s10;
	s7 =	sadd.s32 s13, s7  }
0x397: {  	s4 =	ssub.s32 s21, s4;
	s6 =	sshll.u32 s6, $0x7;
	s7 =	sshll.u32 s7, $0x7  }
0x398: {  	s10 =	sshrl.u32 s15, $0x2;
	s4 =	sshll.u32 s4, $0x7;
	s6 =	sand.u32 $0x1C00, s6  }
0x399: {  	s2 =	sand.u32 $0x1C00, s2;
	s13 =	sshrl.u32 s16, $0x2;
	s15 =	sand.u32 $0x1C00, s7  }
0x39a: {  	s11 =	sand.u32 $0x1C00, s11;
	s4 =	sand.u32 $0xFF80, s4;
	s7 =	sor.u32 $0x100, s10  }
0x39b: {  	s10 =	sadd.s32 $0x12100, s13;
	s13 =	sadd.s32 s5, s7;
	s14 =	sadd.s32 s11, s7  }
0x39c: {  	s11 =	sadd.s32 s11, s10;
	s16 =	sadd.s32 s15, s7;
	s17 =	sadd.s32 s0, s7  }
0x39d: {  	s0 =	sadd.s32 s0, s10;
	s18 =	sadd.s32 s12, s10;
	s11 =	sadd.s32 s22, s11  }
0x39e: {  	s19 =	sadd.s32 s6, s10;
	s6 =	sadd.s32 s6, s7;
	s17 =	sadd.s32 s22, s17  }
0x39f: {  	s5 =	sadd.s32 s5, s10;
	s14 =	sadd.s32 s22, s14;
	v3 =	vld [tilespmem:s17+$0x20];
	s17 =	sadd.s32 s22, s19  }
0x3a0: {  	s19 =	sadd.s32 s2, s7;
	v4 =	vld [tilespmem:s14+$0x10];
	s14 =	sadd.s32 s12, s7;
	s17 =	sor.u32 $0x50, s17  }
0x3a1: {  	s6 =	sadd.s32 s22, s6;
	s0 =	sadd.s32 s22, s0;
	s12 =	sadd.s32 s22, s18  }
0x3a2: {  	s5 =	sadd.s32 s22, s5;
	s11 =	sor.u32 $0x10, s11;
	s12 =	sor.u32 $0x30, s12;
	v5 =	vld [tilespmem:s6+$0x50]  }
0x3a3: {  	s0 =	sor.u32 $0x20, s0;
	s5 =	sor.u32 $0x70, s5;
	s2 =	sadd.s32 s2, s10  }
0x3a4: {  	s6 =	sadd.s32 s22, s16;
	[tilespmem:s0+$0x0] =	vst.add.f32.msk $0xffff, v3;
	s0 =	sadd.s32 s22, s14;
	s14 =	sadd.s32 s22, s19  }
.Ltmp7:
0x3a5: {  	s16 =	sadd.s32 s4, s7;
	s7 =	sadd.s32 s22, s13;
	v3 =	vld [tilespmem:s14+$0x60];
	(pc) =	sbr.rel @p0 .LBB2_16-.Ltmp7, $4  }
0x3a6: {  	s2 =	sadd.s32 s22, s2;
	s4 =	sadd.s32 s4, s10;
	s13 =	sadd.s32 s22, s16;
	[tilespmem:s11+$0x0] =	vst.add.f32.msk $0xffff, v4  }
0x3a7: {  	s14 =	sadd.s32 s22, s4;
	v4 =	vld [tilespmem:s0+$0x30];
	s0 =	sadd.s32 s15, s10  }
0x3a8: {  	s10 =	sadd.s32 s22, s0;
	[tilespmem:s17+$0x0] =	vst.add.f32.msk $0xffff, v5  }
0x3a9: {  	s15 =	sor.u32 $0x60, s2;
	v5 =	vld [tilespmem:s13+$0x0]  }
0x3aa: {  	v6 =	vld [tilespmem:s6+$0x40]  }
0x3ab: {  	v7 =	vld [tilespmem:s7+$0x70]  }
0x3ac: {  	[tilespmem:s15+$0x0] =	vst.add.f32.msk $0xffff, v3  }
0x3ad: {  	[tilespmem:s12+$0x0] =	vst.add.f32.msk $0xffff, v4  }
0x3ae: {  	s0 =	sor.u32 $0x40, s10;
	[tilespmem:s14+$0x0] =	vst.add.f32.msk $0xffff, v5  }
0x3af: {  	[tilespmem:s0+$0x0] =	vst.add.f32.msk $0xffff, v6  }
0x3b0: {  	[tilespmem:s5+$0x0] =	vst.add.f32.msk $0xffff, v7  }
0x3b1: {  	s19 =	simm.s32 $0x12100;
	s0 =	rddreg [dreg:$0x11]  }
0x3b2: {  	[hbm4b:s0+s3] =	stream.linear.scatter [tilespmem:s19], [sflag:$0x5], $0x6000, $0x38;
	[tilespmem:$0x1E100] =	vst v63  }
0x3b3: {  	_ =	swait.ge [sflag:s28], $0x6000  }
0x3b4: {  	[sflag:s28] =	ssyncset.done $0x0  }
0x3b5: {  	[sflag:s28] =	ssyncadd.s32 $0xFFFFA000  }
0x3b6: {  	_ =	swait.ge [sflag:s31], $0x6000  }
0x3b7: {  	s20 =	sadd.s32 $0x1, s20;
	s30 =	rddreg [dreg:$0x12]  }
0x3b8: {  	p0 =	sne.s32 s20, s30  }
.Ltmp8:
0x3b9: {  	_ = 	snop;
	(pc) =	sbr.rel @p0 .LBB2_1-.Ltmp8, $3  }
0x3ba: {  	_ =	sdelay $0x1  }
0x3bb: {  	[sflag:s31] =	ssyncset.done $0x0  }
0x3bc: {  	[sflag:s31] =	ssyncadd.s32 $0xFFFFA000  }
0x3bd: {  	_ =	sfence.sel $0x180000  }
0x3be: {  	[bflag:$0x0] =	sbarrier.arrive $0xFFFF  }
0x3bf: {  	_ =	strace $0x90000047  }
0x3c0: {  	s0 =	stileid.u32;
	[bflag:$0x2] =	sbarrier.arrive $0xFFFF  }
0x3c1: {  	p0 =	sne.s32 s0, $0x0;
	s0 =	rddreg [dreg:$0x4]  }
0x3c2: {  	s0 =	sadd.s32 @!p0 $0x100000, s0  }
0x3c3: {  	[sflag:s0] =	ssyncadd.tile.s32 @!p0 $0x1;
	_ =	shalt  }
.Lfunc_end2:
_tile_overlayer_lowered:
.L_overlay_start_2:
0x3c4: {  	(tag) =	ssettag $0x2  }
0x3c5: {  	s0 =	rddreg [dreg:$0x0];
	s2 =	stileid.u32  }
0x3c6: {  	s1 =	rddreg [dreg:$0x1];
	p0 =	sne.s32 s2, $0x0  }
0x3c7: {  	s3 =	rddreg [dreg:$0x2];
	[bflag:$0x3] =	sbarrier.arrive $0xFFFF;
	s2 =	simm.s32 @!p0 $0x1C0C  }
0x3c8: {  	[timem:s3], [sflag:s2] =	dma.local @!p0 [hbm:s0], s1  }
0x3c9: {  	s0 =	simm.s32 @!p0 $0xC  }
0x3ca: {  	_ =	swait.ge @!p0 [sflag:s0], s1  }
0x3cb: {  	s1 =	ssub.s32 @!p0 $0x0, s1;
	[sflag:s0] =	ssyncset.done @!p0 $0x0  }
0x3cc: {  	[sflag:s0] =	ssyncadd.s32 @!p0 s1  }
0x3cd: {  	[bflag:$0x3] =	sbarrier.arrive $0xFFFF  }
0x3ce: {  	_ =	shalt  }

</sc_bundles>
